<compile_context>
chip_gen: v7x
topology: tpu7x:2x2x1
jax: 0.10.2.dev20260603
libtpu: 0.0.44.dev20260713+nightly
codegen_flags: <defaults>
</compile_context>

<pallas_src>
import functools

import jax
import jax.numpy as jnp
from jax import lax
from jax.experimental import pallas as pl
from jax.experimental.pallas import tpu as pltpu
from jax.experimental.pallas import tpu_sc as plsc

NN = 10000
DF = 128
DE = 16
NEDGE = 320000
NPOS = 100000
NNEG = 100000
NSIDE = 102400
NLINK = 2 * NSIDE
NPAD = NSIDE - NPOS

NC = 2
NS = 16
NW = NC * NS

MP_K = 125
MP_CHUNKS = NEDGE // (NW * MP_K)
MP_GCH = 40
NNP = 10240
MP_ROWS_PER_TILE = NNP // NS

LN_K = 128
LN_CHUNKS = NLINK // (NW * LN_K)
LN_PER_W = NLINK // NW

SCORE_R = 4096
SCORE_BLOCKS = NLINK // SCORE_R
SIDE_BLOCKS = NSIDE // SCORE_R


DP = DF // 2


def _rne(u):
    return u + jnp.uint32(0x7FFF) + ((u >> 16) & jnp.uint32(1))


def _pack(t):
    u = lax.bitcast_convert_type(t, jnp.uint32)
    w = (_rne(u[:, :DP]) & jnp.uint32(0xFFFF0000)) | (_rne(u[:, DP:]) >> 16)
    return lax.bitcast_convert_type(w, jnp.int32)


def _unpack(p):
    u = lax.bitcast_convert_type(p, jnp.uint32)
    hi = lax.bitcast_convert_type(u & jnp.uint32(0xFFFF0000), jnp.float32)
    lo = lax.bitcast_convert_type(u << 16, jnp.float32)
    return jnp.concatenate([hi, lo], axis=1)


def _prep_body(x_ref, xc_ref):
    xv = x_ref[...]
    xc_ref[...] = xv - jnp.mean(xv, axis=0, keepdims=True)


_prep = pl.pallas_call(
    _prep_body,
    out_shape=jax.ShapeDtypeStruct((NN, DF), jnp.float32),
)


def _mp_body(xc_hbm, src_hbm, dst_hbm, zero_hbm, out_hbm,
             src_idx, dst_idx, rows_a, rows_b, agg_sh, ga, gb, sa, sb):
    cid = lax.axis_index("c")
    sid = lax.axis_index("s")
    wid = sid * NC + cid
    pltpu.sync_copy(zero_hbm.at[pl.ds(sid * MP_ROWS_PER_TILE, MP_ROWS_PER_TILE)],
                    agg_sh.at[pl.ds(sid * MP_ROWS_PER_TILE, MP_ROWS_PER_TILE)])
    plsc.subcore_barrier()

    def drain_scatter(j, rows, sem):
        pltpu.make_async_copy(rows, agg_sh.at[src_idx.at[j]], sem).wait()

    def group(g, c):
        base = wid * MP_CHUNKS + g * MP_GCH
        pltpu.sync_copy(src_hbm.at[pl.ds(base, MP_GCH)], src_idx)
        pltpu.sync_copy(dst_hbm.at[pl.ds(base, MP_GCH)], dst_idx)

        def pair(p, c2):
            j0 = 2 * p
            j1 = j0 + 1

            @pl.when(p > 0)
            def _():
                drain_scatter(j0 - 2, rows_a, sa)

            pltpu.async_copy(xc_hbm.at[dst_idx.at[j0]], rows_a, ga)

            @pl.when(p > 0)
            def _():
                drain_scatter(j0 - 1, rows_b, sb)

            pltpu.async_copy(xc_hbm.at[dst_idx.at[j1]], rows_b, gb)
            pltpu.make_async_copy(xc_hbm.at[dst_idx.at[j0]], rows_a, ga).wait()
            pltpu.async_copy(rows_a, agg_sh.at[src_idx.at[j0]], sa, add=True)
            pltpu.make_async_copy(xc_hbm.at[dst_idx.at[j1]], rows_b, gb).wait()
            pltpu.async_copy(rows_b, agg_sh.at[src_idx.at[j1]], sb, add=True)
            return c2

        lax.fori_loop(0, MP_GCH // 2, pair, 0)
        drain_scatter(MP_GCH - 2, rows_a, sa)
        drain_scatter(MP_GCH - 1, rows_b, sb)
        return c

    lax.fori_loop(0, MP_CHUNKS // MP_GCH, group, 0)
    plsc.subcore_barrier()
    base = cid * NNP + sid * MP_ROWS_PER_TILE
    pltpu.sync_copy(agg_sh.at[pl.ds(sid * MP_ROWS_PER_TILE, MP_ROWS_PER_TILE)],
                    out_hbm.at[pl.ds(base, MP_ROWS_PER_TILE)])


_mp_call = functools.partial(
    pl.kernel,
    mesh=plsc.VectorSubcoreMesh(core_axis_name="c", subcore_axis_name="s"),
    out_type=jax.ShapeDtypeStruct((NC * NNP, DF), jnp.float32),
    scratch_types=[
        pltpu.VMEM((MP_GCH, MP_K), jnp.int32),
        pltpu.VMEM((MP_GCH, MP_K), jnp.int32),
        pltpu.VMEM((MP_K, DF), jnp.float32),
        pltpu.VMEM((MP_K, DF), jnp.float32),
        pltpu.VMEM_SHARED((NNP, DF), jnp.float32),
        pltpu.SemaphoreType.DMA,
        pltpu.SemaphoreType.DMA,
        pltpu.SemaphoreType.DMA,
        pltpu.SemaphoreType.DMA,
    ],
)(_mp_body)


def _node_body(p_ref, w_ref, xp_ref, hx_ref):
    agg = p_ref[0] + p_ref[1]
    h = jnp.maximum(
        jnp.dot(agg, w_ref[...], preferred_element_type=jnp.float32), 0.0)
    hx_ref[...] = jnp.concatenate([_pack(h), _pack(xp_ref[...])], axis=1)


_node = pl.pallas_call(
    _node_body,
    grid=(10,),
    in_specs=[
        pl.BlockSpec((NC, NNP // 10, DF), lambda i: (0, i, 0)),
        pl.BlockSpec((DF, DF), lambda i: (0, 0)),
        pl.BlockSpec((NNP // 10, DF), lambda i: (i, 0)),
    ],
    out_specs=pl.BlockSpec((NNP // 10, DF), lambda i: (i, 0)),
    out_shape=jax.ShapeDtypeStruct((NNP, DF), jnp.int32),
)


def _ln_body(hx_hbm, u_hbm, v_hbm, ohxu, ohxv,
             u_idx, v_idx, a_u, a_v, b_u, b_v, sga, sgb, swa, swb):
    cid = lax.axis_index("c")
    sid = lax.axis_index("s")
    wid = sid * NC + cid
    pltpu.sync_copy(u_hbm.at[wid], u_idx)
    pltpu.sync_copy(v_hbm.at[wid], v_idx)

    bufs_a = (a_u, a_v)
    bufs_b = (b_u, b_v)
    outs = (ohxu, ohxv)

    def fire_gathers(j, bufs, sem):
        pltpu.async_copy(hx_hbm.at[u_idx.at[j]], bufs[0], sem)
        pltpu.async_copy(hx_hbm.at[v_idx.at[j]], bufs[1], sem)

    def drain_gathers(j, bufs, sem):
        pltpu.make_async_copy(hx_hbm.at[u_idx.at[j]], bufs[0], sem).wait()
        pltpu.make_async_copy(hx_hbm.at[v_idx.at[j]], bufs[1], sem).wait()

    def fire_writes(j, bufs, sem):
        base = wid * LN_PER_W + j * LN_K
        for t in range(2):
            pltpu.async_copy(bufs[t], outs[t].at[pl.ds(base, LN_K)], sem)

    def drain_writes(j, bufs, sem):
        base = wid * LN_PER_W + j * LN_K
        for t in range(2):
            pltpu.make_async_copy(
                bufs[t], outs[t].at[pl.ds(base, LN_K)], sem).wait()

    def pair(p, c):
        j0 = 2 * p
        j1 = j0 + 1

        @pl.when(p > 0)
        def _():
            drain_writes(j0 - 2, bufs_a, swa)

        fire_gathers(j0, bufs_a, sga)

        @pl.when(p > 0)
        def _():
            drain_writes(j0 - 1, bufs_b, swb)

        fire_gathers(j1, bufs_b, sgb)
        drain_gathers(j0, bufs_a, sga)
        fire_writes(j0, bufs_a, swa)
        drain_gathers(j1, bufs_b, sgb)
        fire_writes(j1, bufs_b, swb)
        return c

    lax.fori_loop(0, LN_CHUNKS // 2, pair, 0)
    drain_writes(LN_CHUNKS - 2, bufs_a, swa)
    drain_writes(LN_CHUNKS - 1, bufs_b, swb)


_gathered_sds = jax.ShapeDtypeStruct((NLINK, DF), jnp.int32)
_ln_call = functools.partial(
    pl.kernel,
    mesh=plsc.VectorSubcoreMesh(core_axis_name="c", subcore_axis_name="s"),
    out_type=(_gathered_sds, _gathered_sds),
    scratch_types=(
        [pltpu.VMEM((LN_CHUNKS, LN_K), jnp.int32)] * 2
        + [pltpu.VMEM((LN_K, DF), jnp.int32)] * 4
        + [pltpu.SemaphoreType.DMA] * 4
    ),
)(_ln_body)


def _score_body(hxu, hxv, pf, nf, wsn, wse, wg, out):
    i = pl.program_id(0)
    hxu_v = hxu[...]
    hxv_v = hxv[...]
    huv = _unpack(hxu_v[:, :DP]) * _unpack(hxv_v[:, :DP])
    xd = jnp.abs(_unpack(hxu_v[:, DP:]) - _unpack(hxv_v[:, DP:]))
    ef = jnp.where(i < SIDE_BLOCKS, pf[...], nf[...])
    experts = (jnp.dot(huv, wsn[...], preferred_element_type=jnp.float32)
               + jnp.dot(ef, wse[...], preferred_element_type=jnp.float32))
    gl = jnp.dot(xd, wg[...], preferred_element_type=jnp.float32)
    eT = experts.T
    gT = gl.T
    erow = lax.broadcasted_iota(jnp.int32, (8, SCORE_R), 0)
    gT = jnp.where(erow < 4, gT, -1e30)
    m = jnp.max(gT, axis=0, keepdims=True)
    p = jnp.exp(gT - m)
    gate = p / jnp.sum(p, axis=0, keepdims=True)
    logits = jnp.sum(eT * gate, axis=0, keepdims=True)
    r = lax.broadcasted_iota(jnp.int32, (1, SCORE_R), 1)
    side_row = i * SCORE_R + r - jnp.where(i < SIDE_BLOCKS, 0, NSIDE)
    valid = side_row < NPOS
    tgt = jnp.where(i < SIDE_BLOCKS, 1.0, 0.0)
    bce = (jnp.maximum(logits, 0.0) - logits * tgt
           + jnp.log(1.0 + jnp.exp(-jnp.abs(logits))))
    s = jnp.sum(jnp.where(valid, bce, 0.0))

    @pl.when(i == 0)
    def _():
        out[...] = s.reshape(1, 1)

    @pl.when(i != 0)
    def _():
        out[...] += s.reshape(1, 1)


_score = pl.pallas_call(
    _score_body,
    grid=(SCORE_BLOCKS,),
    in_specs=[
        pl.BlockSpec((SCORE_R, DF), lambda i: (i, 0)),
        pl.BlockSpec((SCORE_R, DF), lambda i: (i, 0)),
        pl.BlockSpec((SCORE_R, DE),
                     lambda i: (jnp.where(i < SIDE_BLOCKS, i, 0), 0)),
        pl.BlockSpec((SCORE_R, DE),
                     lambda i: (jnp.where(i < SIDE_BLOCKS, 0, i - SIDE_BLOCKS),
                                0)),
        pl.BlockSpec((DF, 8), lambda i: (0, 0)),
        pl.BlockSpec((DE, 8), lambda i: (0, 0)),
        pl.BlockSpec((DF, 8), lambda i: (0, 0)),
    ],
    out_specs=pl.BlockSpec((1, 1), lambda i: (0, 0)),
    out_shape=jax.ShapeDtypeStruct((1, 1), jnp.float32),
)


def kernel(x, mp_link, pos_link, neg_link, pos_feats, neg_feats,
           W1, W_score, W_gate):
    f32 = jnp.float32
    msrc = mp_link[:, 0].reshape(NEDGE // MP_K, MP_K)
    mdst = mp_link[:, 1].reshape(NEDGE // MP_K, MP_K)
    pad_idx = (jnp.arange(NPAD, dtype=jnp.int32) * 13) % NN
    u_all = jnp.concatenate(
        [pos_link[:, 0], pad_idx, neg_link[:, 0], pad_idx]).reshape(
            NW, LN_CHUNKS, LN_K)
    v_all = jnp.concatenate(
        [pos_link[:, 1], pad_idx, neg_link[:, 1], pad_idx]).reshape(
            NW, LN_CHUNKS, LN_K)
    pfp = jnp.pad(pos_feats, ((0, NPAD), (0, 0)))
    nfp = jnp.pad(neg_feats, ((0, NPAD), (0, 0)))
    wsn = jnp.pad(W_score[:DF], ((0, 0), (0, 4)))
    wse = jnp.pad(W_score[DF:], ((0, 0), (0, 4)))
    wg = jnp.pad(W_gate, ((0, 0), (0, 4)))
    ztbl = jnp.zeros((NNP, DF), f32)

    xp = jnp.pad(x, ((0, NNP - NN), (0, 0)))
    xc = _prep(x)
    partials = _mp_call(xc, msrc, mdst, ztbl)
    hx = _node(partials.reshape(NC, NNP, DF), W1, xp)
    hxu, hxv = _ln_call(hx, u_all, v_all)
    s = _score(hxu, hxv, pfp, nfp, wsn, wse, wg)
    return s[0, 0] * (1.0 / (NPOS + NNEG))

# --- scband reference (transcript-rebuilt; emitter-appended) ---
"""Pipeline reference for scband-buddy-pretrain-module-21938692948580 (READ-ONLY COPY).

The authoritative reference and input builder live on the scoring server;
editing this copy changes nothing except your own understanding.
"""

import jax, jax.numpy as jnp
import numpy as np

N_NODES = 10000
D_FEAT = 128
D_EDGE = 16
N_MP_EDGES = 320000
N_POS = 100000
N_NEG = 100000
N_EXPERTS = 4
TEMPERATURE = 1.0


def setup_inputs(seed: int = 0) -> dict:
    key = jax.random.key(seed)
    ks = jax.random.split(key, 10)
    x = jax.random.normal(ks[0], (N_NODES, D_FEAT), dtype=jnp.float32)
    mp_link = jax.random.randint(ks[1], (N_MP_EDGES, 2), 0, N_NODES, dtype=jnp.int32)
    pos_link = jax.random.randint(ks[2], (N_POS, 2), 0, N_NODES, dtype=jnp.int32)
    neg_link = jax.random.randint(ks[3], (N_NEG, 2), 0, N_NODES, dtype=jnp.int32)
    pos_feats = jax.random.normal(ks[4], (N_POS, D_EDGE), dtype=jnp.float32)
    neg_feats = jax.random.normal(ks[5], (N_NEG, D_EDGE), dtype=jnp.float32)
    # learned parameters (xavier-ish scaling)
    W1 = jax.random.normal(ks[6], (D_FEAT, D_FEAT), dtype=jnp.float32) * np.sqrt(2.0 / (D_FEAT + D_FEAT))
    W_score = jax.random.normal(ks[7], (D_FEAT + D_EDGE, N_EXPERTS), dtype=jnp.float32) * np.sqrt(2.0 / (D_FEAT + D_EDGE + N_EXPERTS))
    W_gate = jax.random.normal(ks[8], (D_FEAT, N_EXPERTS), dtype=jnp.float32) * np.sqrt(2.0 / (D_FEAT + N_EXPERTS))
    return {
        'x': x, 'mp_link': mp_link, 'pos_link': pos_link, 'neg_link': neg_link,
        'pos_feats': pos_feats, 'neg_feats': neg_feats,
        'W1': W1, 'W_score': W_score, 'W_gate': W_gate,
    }


def reference(x, mp_link, pos_link, neg_link, pos_feats, neg_feats, W1, W_score, W_gate):
    n = x.shape[0]
    x_ori = x
    # align: center features
    miu = jnp.mean(x, axis=0, keepdims=True)
    xc = x - miu
    # node_model: one GCN-style message-passing layer over mp_link
    # adj = SparseTensor.from_edge_index(mp_link.t(), ones); h = relu((A @ x) W1)
    src = mp_link[:, 0]
    dst = mp_link[:, 1]
    msg = jnp.take(xc, dst, axis=0)                       # gather col features
    agg = jax.ops.segment_sum(msg, src, num_segments=n)   # scatter-add to rows
    h = jax.nn.relu(agg @ W1)
    # link pair features
    pos_u, pos_v = pos_link[:, 0], pos_link[:, 1]
    neg_u, neg_v = neg_link[:, 0], neg_link[:, 1]
    h_pos = jnp.take(h, pos_u, axis=0) * jnp.take(h, pos_v, axis=0)
    h_neg = jnp.take(h, neg_u, axis=0) * jnp.take(h, neg_v, axis=0)
    h_all = jnp.concatenate([h_pos, h_neg], axis=0)
    e_all = jnp.concatenate([pos_feats, neg_feats], axis=0)
    # score_input = 'node_edge' -> [node, edge]
    h_score = jnp.concatenate([h_all, e_all], axis=1)
    # gate_input = ['node_diff'] on original (uncentered) features
    x_pos = jnp.abs(jnp.take(x_ori, pos_u, axis=0) - jnp.take(x_ori, pos_v, axis=0))
    x_neg = jnp.abs(jnp.take(x_ori, neg_u, axis=0) - jnp.take(x_ori, neg_v, axis=0))
    h_gate = jnp.concatenate([x_pos, x_neg], axis=0)
    # score_func: MoE scorer -> per-expert logits mixed by softmax gate
    experts = h_score @ W_score                                   # [M, E]
    gate = jax.nn.softmax((h_gate @ W_gate) / TEMPERATURE, axis=-1)
    logits = jnp.sum(experts * gate, axis=1)                      # [M]
    target = jnp.concatenate([jnp.ones((N_POS,), jnp.float32), jnp.zeros((N_NEG,), jnp.float32)])
    # binary_cross_entropy_with_logits (mean reduction), numerically stable
    loss = jnp.mean(jnp.maximum(logits, 0.0) - logits * target + jnp.log1p(jnp.exp(-jnp.abs(logits))))
    return loss

if __name__ == "__main__":
    import jax
    _d = setup_inputs()
    print(jax.jit(kernel)(*tuple(_d.values())))

</pallas_src>

<mosaic_0001>
#map = affine_map<(d0, d1) -> (0, 0)>
module attributes {stable_mosaic.version = 14 : i64} {
  func.func @_mp_body(%arg0: i32, %arg1: i32, %arg2: memref<10000x128xf32, #tpu.memory_space<hbm>>, %arg3: memref<2560x125xi32, #tpu.memory_space<hbm>>, %arg4: memref<2560x125xi32, #tpu.memory_space<hbm>>, %arg5: memref<10240x128xf32, #tpu.memory_space<hbm>>, %arg6: memref<20480x128xf32, #tpu.memory_space<hbm>>, %arg7: memref<40x125xi32, #tpu.memory_space<vmem>>, %arg8: memref<40x125xi32, #tpu.memory_space<vmem>>, %arg9: memref<125x128xf32, #tpu.memory_space<vmem>>, %arg10: memref<125x128xf32, #tpu.memory_space<vmem>>, %arg11: memref<10240x128xf32, #tpu.memory_space<vmem_shared>>, %arg12: memref<!tpu.dma_semaphore, #tpu.memory_space<semaphore_mem>>, %arg13: memref<!tpu.dma_semaphore, #tpu.memory_space<semaphore_mem>>, %arg14: memref<!tpu.dma_semaphore, #tpu.memory_space<semaphore_mem>>, %arg15: memref<!tpu.dma_semaphore, #tpu.memory_space<semaphore_mem>>) attributes {dimension_semantics = [#tpu.dimension_semantics<core_parallel>, #tpu.dimension_semantics<subcore_parallel>], iteration_bounds = array<i64: 2, 16>, scalar_prefetch = 0 : i64, scratch_operands = 9 : i64, tpu.core_type = #tpu.core_type<sc_vector_subcore>, window_params = [{transform_indices = #map}, {transform_indices = #map}, {transform_indices = #map}, {transform_indices = #map}, {transform_indices = #map}]} {
    %mul3A = arith.constant 2 : i32
    %mul3A_0 = arith.muli %arg1, %mul3A : i32
    %add3A = arith.addi %mul3A_0, %arg0 : i32
    %mul3A_1 = arith.constant 640 : i32
    %mul3A_2 = arith.muli %arg1, %mul3A_1 : i32
    %mul3A_3 = arith.constant 640 : i32
    %mul3A_4 = arith.muli %arg1, %mul3A_3 : i32
    "tpu.region"() ({
      %run_scoped3A = tpu.sem_alloc : memref<!tpu.dma_semaphore, #tpu.memory_space<semaphore_mem>>
      %dma_start3A = arith.constant 0 : i32
      %dma_start3A_18 = tpu.memref_slice %arg11[%mul3A_4, %dma_start3A] : memref<10240x128xf32, #tpu.memory_space<vmem_shared>> -> memref<640x128xf32, #tpu.memory_space<vmem_shared>>
      %dma_start3A_19 = arith.constant 0 : i32
      %dma_start3A_20 = tpu.memref_slice %arg5[%mul3A_2, %dma_start3A_19] : memref<10240x128xf32, #tpu.memory_space<hbm>> -> memref<640x128xf32, #tpu.memory_space<hbm>>
      tpu.enqueue_dma source(%dma_start3A_20 : memref<640x128xf32, #tpu.memory_space<hbm>>) target(%dma_start3A_18 : memref<640x128xf32, #tpu.memory_space<vmem_shared>>) target_semaphore(%run_scoped3A : memref<!tpu.dma_semaphore, #tpu.memory_space<semaphore_mem>>)
      %dma_wait3A = arith.constant 0 : i32
      %dma_wait3A_21 = tpu.memref_slice %arg11[%mul3A_4, %dma_wait3A] : memref<10240x128xf32, #tpu.memory_space<vmem_shared>> -> memref<640x128xf32, #tpu.memory_space<vmem_shared>>
      %dma_wait3A_22 = arith.constant 0 : i32
      %dma_wait3A_23 = tpu.memref_slice %arg5[%mul3A_2, %dma_wait3A_22] : memref<10240x128xf32, #tpu.memory_space<hbm>> -> memref<640x128xf32, #tpu.memory_space<hbm>>
      tpu.wait_dma2 semaphore(%run_scoped3A : memref<!tpu.dma_semaphore, #tpu.memory_space<semaphore_mem>>) src(%dma_wait3A_23 : memref<640x128xf32, #tpu.memory_space<hbm>>) dst(%dma_wait3A_21 : memref<640x128xf32, #tpu.memory_space<vmem_shared>>)
      tpu.yield
    }) : () -> ()
    %barrier3A = arith.constant 0 : index
    tpu.barrier barrier_id(%barrier3A)
    %scan3A = arith.constant 0 : i32
    %scan3A_5 = arith.constant 0 : i32
    %scan3A_6 = arith.constant 2 : i32
    %scan3A_7 = arith.addi %scan3A_5, %scan3A_6 : i32
    %scan3A_8 = arith.constant 1 : i32
    scf.for %scan3A_18 = %scan3A_5 to %scan3A_7 step %scan3A_8  : i32 {
      %mul3A_19 = arith.constant 80 : i32
      %mul3A_20 = arith.muli %add3A, %mul3A_19 : i32
      %mul3A_21 = arith.constant 40 : i32
      %mul3A_22 = arith.muli %scan3A_18, %mul3A_21 : i32
      %add3A_23 = arith.addi %mul3A_20, %mul3A_22 : i32
      "tpu.region"() ({
        %run_scoped3A = tpu.sem_alloc : memref<!tpu.dma_semaphore, #tpu.memory_space<semaphore_mem>>
        %dma_start3A = arith.constant 0 : i32
        %dma_start3A_43 = tpu.memref_slice %arg3[%add3A_23, %dma_start3A] : memref<2560x125xi32, #tpu.memory_space<hbm>> -> memref<40x125xi32, #tpu.memory_space<hbm>>
        %dma_start3A_44 = arith.constant 0 : i32
        %dma_start3A_45 = tpu.memref_slice %arg3[%add3A_23, %dma_start3A_44] : memref<2560x125xi32, #tpu.memory_space<hbm>> -> memref<40x125xi32, #tpu.memory_space<hbm>>
        tpu.enqueue_dma source(%dma_start3A_45 : memref<40x125xi32, #tpu.memory_space<hbm>>) target(%arg7 : memref<40x125xi32, #tpu.memory_space<vmem>>) target_semaphore(%run_scoped3A : memref<!tpu.dma_semaphore, #tpu.memory_space<semaphore_mem>>)
        %dma_wait3A_46 = arith.constant 0 : i32
        %dma_wait3A_47 = tpu.memref_slice %arg3[%add3A_23, %dma_wait3A_46] : memref<2560x125xi32, #tpu.memory_space<hbm>> -> memref<40x125xi32, #tpu.memory_space<hbm>>
        %dma_wait3A_48 = arith.constant 0 : i32
        %dma_wait3A_49 = tpu.memref_slice %arg3[%add3A_23, %dma_wait3A_48] : memref<2560x125xi32, #tpu.memory_space<hbm>> -> memref<40x125xi32, #tpu.memory_space<hbm>>
        tpu.wait_dma2 semaphore(%run_scoped3A : memref<!tpu.dma_semaphore, #tpu.memory_space<semaphore_mem>>) src(%dma_wait3A_49 : memref<40x125xi32, #tpu.memory_space<hbm>>) dst(%arg7 : memref<40x125xi32, #tpu.memory_space<vmem>>)
        tpu.yield
      }) : () -> ()
      "tpu.region"() ({
        %run_scoped3A = tpu.sem_alloc : memref<!tpu.dma_semaphore, #tpu.memory_space<semaphore_mem>>
        %dma_start3A = arith.constant 0 : i32
        %dma_start3A_43 = tpu.memref_slice %arg4[%add3A_23, %dma_start3A] : memref<2560x125xi32, #tpu.memory_space<hbm>> -> memref<40x125xi32, #tpu.memory_space<hbm>>
        %dma_start3A_44 = arith.constant 0 : i32
        %dma_start3A_45 = tpu.memref_slice %arg4[%add3A_23, %dma_start3A_44] : memref<2560x125xi32, #tpu.memory_space<hbm>> -> memref<40x125xi32, #tpu.memory_space<hbm>>
        tpu.enqueue_dma source(%dma_start3A_45 : memref<40x125xi32, #tpu.memory_space<hbm>>) target(%arg8 : memref<40x125xi32, #tpu.memory_space<vmem>>) target_semaphore(%run_scoped3A : memref<!tpu.dma_semaphore, #tpu.memory_space<semaphore_mem>>)
        %dma_wait3A_46 = arith.constant 0 : i32
        %dma_wait3A_47 = tpu.memref_slice %arg4[%add3A_23, %dma_wait3A_46] : memref<2560x125xi32, #tpu.memory_space<hbm>> -> memref<40x125xi32, #tpu.memory_space<hbm>>
        %dma_wait3A_48 = arith.constant 0 : i32
        %dma_wait3A_49 = tpu.memref_slice %arg4[%add3A_23, %dma_wait3A_48] : memref<2560x125xi32, #tpu.memory_space<hbm>> -> memref<40x125xi32, #tpu.memory_space<hbm>>
        tpu.wait_dma2 semaphore(%run_scoped3A : memref<!tpu.dma_semaphore, #tpu.memory_space<semaphore_mem>>) src(%dma_wait3A_49 : memref<40x125xi32, #tpu.memory_space<hbm>>) dst(%arg8 : memref<40x125xi32, #tpu.memory_space<vmem>>)
        tpu.yield
      }) : () -> ()
      %scan3A_24 = arith.constant 0 : i32
      %scan3A_25 = arith.constant 0 : i32
      %scan3A_26 = arith.constant 20 : i32
      %scan3A_27 = arith.addi %scan3A_25, %scan3A_26 : i32
      %scan3A_28 = arith.constant 1 : i32
      scf.for %scan3A_43 = %scan3A_25 to %scan3A_27 step %scan3A_28  : i32 {
        %mul3A_44 = arith.constant 2 : i32
        %mul3A_45 = arith.muli %mul3A_44, %scan3A_43 : i32
        %add3A_46 = arith.constant 1 : i32
        %add3A_47 = arith.addi %mul3A_45, %add3A_46 : i32
        %gt3A = arith.constant 0 : i32
        %gt3A_48 = arith.cmpi sgt, %scan3A_43, %gt3A : i32
        %convert_element_type3A = arith.extui %gt3A_48 : i1 to i32
        %cond3A = arith.constant 0 : i32
        %cond3A_49 = arith.cmpi ne, %convert_element_type3A, %cond3A : i32
        scf.if %cond3A_49 {
          %sub3A = arith.constant 2 : i32
          %sub3A_90 = arith.subi %mul3A_45, %sub3A : i32
          %dma_wait3A_91 = arith.constant 0 : i32
          %dma_wait3A_92 = tpu.memref_slice %arg7[%sub3A_90, %dma_wait3A_91] : memref<40x125xi32, #tpu.memory_space<vmem>> -> memref<1x125xi32, #tpu.memory_space<vmem>>
          %dma_wait3A_93 = tpu.memref_squeeze %dma_wait3A_92 : memref<1x125xi32, #tpu.memory_space<vmem>> -> memref<125xi32, #tpu.memory_space<vmem>>
          %dma_wait3A_94 = arith.constant 0 : i32
          %dma_wait3A_95 = arith.constant 0 : i32
          %dma_wait3A_96 = tpu.memref_slice %arg11[%dma_wait3A_94, %dma_wait3A_95] : memref<10240x128xf32, #tpu.memory_space<vmem_shared>> -> memref<10240x128xf32, #tpu.memory_space<vmem_shared>>
          tpu.wait_indirect_dma semaphore(%arg14 : memref<!tpu.dma_semaphore, #tpu.memory_space<semaphore_mem>>) src(%arg9 : memref<125x128xf32, #tpu.memory_space<vmem>>) dst(%dma_wait3A_96 : memref<10240x128xf32, #tpu.memory_space<vmem_shared>>)
        } else {
        }
        %dma_start3A = arith.constant 0 : i32
        %dma_start3A_50 = tpu.memref_slice %arg8[%mul3A_45, %dma_start3A] : memref<40x125xi32, #tpu.memory_space<vmem>> -> memref<1x125xi32, #tpu.memory_space<vmem>>
        %dma_start3A_51 = tpu.memref_squeeze %dma_start3A_50 : memref<1x125xi32, #tpu.memory_space<vmem>> -> memref<125xi32, #tpu.memory_space<vmem>>
        %dma_start3A_52 = arith.constant 0 : i32
        %dma_start3A_53 = arith.constant 0 : i32
        %dma_start3A_54 = tpu.memref_slice %arg2[%dma_start3A_52, %dma_start3A_53] : memref<10000x128xf32, #tpu.memory_space<hbm>> -> memref<10000x128xf32, #tpu.memory_space<hbm>>
        tpu.enqueue_indirect_dma source(%dma_start3A_54 : memref<10000x128xf32, #tpu.memory_space<hbm>>) target(%arg9 : memref<125x128xf32, #tpu.memory_space<vmem>>) offsets(%dma_start3A_51 : memref<125xi32, #tpu.memory_space<vmem>>) semaphore(%arg12 : memref<!tpu.dma_semaphore, #tpu.memory_space<semaphore_mem>>)
        %gt3A_55 = arith.constant 0 : i32
        %gt3A_56 = arith.cmpi sgt, %scan3A_43, %gt3A_55 : i32
        %convert_element_type3A_57 = arith.extui %gt3A_56 : i1 to i32
        %cond3A_58 = arith.constant 0 : i32
        %cond3A_59 = arith.cmpi ne, %convert_element_type3A_57, %cond3A_58 : i32
        scf.if %cond3A_59 {
          %sub3A = arith.constant 1 : i32
          %sub3A_90 = arith.subi %mul3A_45, %sub3A : i32
          %dma_wait3A_91 = arith.constant 0 : i32
          %dma_wait3A_92 = tpu.memref_slice %arg7[%sub3A_90, %dma_wait3A_91] : memref<40x125xi32, #tpu.memory_space<vmem>> -> memref<1x125xi32, #tpu.memory_space<vmem>>
          %dma_wait3A_93 = tpu.memref_squeeze %dma_wait3A_92 : memref<1x125xi32, #tpu.memory_space<vmem>> -> memref<125xi32, #tpu.memory_space<vmem>>
          %dma_wait3A_94 = arith.constant 0 : i32
          %dma_wait3A_95 = arith.constant 0 : i32
          %dma_wait3A_96 = tpu.memref_slice %arg11[%dma_wait3A_94, %dma_wait3A_95] : memref<10240x128xf32, #tpu.memory_space<vmem_shared>> -> memref<10240x128xf32, #tpu.memory_space<vmem_shared>>
          tpu.wait_indirect_dma semaphore(%arg15 : memref<!tpu.dma_semaphore, #tpu.memory_space<semaphore_mem>>) src(%arg10 : memref<125x128xf32, #tpu.memory_space<vmem>>) dst(%dma_wait3A_96 : memref<10240x128xf32, #tpu.memory_space<vmem_shared>>)
        } else {
        }
        %dma_start3A_60 = arith.constant 0 : i32
        %dma_start3A_61 = tpu.memref_slice %arg8[%add3A_47, %dma_start3A_60] : memref<40x125xi32, #tpu.memory_space<vmem>> -> memref<1x125xi32, #tpu.memory_space<vmem>>
        %dma_start3A_62 = tpu.memref_squeeze %dma_start3A_61 : memref<1x125xi32, #tpu.memory_space<vmem>> -> memref<125xi32, #tpu.memory_space<vmem>>
        %dma_start3A_63 = arith.constant 0 : i32
        %dma_start3A_64 = arith.constant 0 : i32
        %dma_start3A_65 = tpu.memref_slice %arg2[%dma_start3A_63, %dma_start3A_64] : memref<10000x128xf32, #tpu.memory_space<hbm>> -> memref<10000x128xf32, #tpu.memory_space<hbm>>
        tpu.enqueue_indirect_dma source(%dma_start3A_65 : memref<10000x128xf32, #tpu.memory_space<hbm>>) target(%arg10 : memref<125x128xf32, #tpu.memory_space<vmem>>) offsets(%dma_start3A_62 : memref<125xi32, #tpu.memory_space<vmem>>) semaphore(%arg13 : memref<!tpu.dma_semaphore, #tpu.memory_space<semaphore_mem>>)
        %dma_wait3A_66 = arith.constant 0 : i32
        %dma_wait3A_67 = tpu.memref_slice %arg8[%mul3A_45, %dma_wait3A_66] : memref<40x125xi32, #tpu.memory_space<vmem>> -> memref<1x125xi32, #tpu.memory_space<vmem>>
        %dma_wait3A_68 = tpu.memref_squeeze %dma_wait3A_67 : memref<1x125xi32, #tpu.memory_space<vmem>> -> memref<125xi32, #tpu.memory_space<vmem>>
        %dma_wait3A_69 = arith.constant 0 : i32
        %dma_wait3A_70 = arith.constant 0 : i32
        %dma_wait3A_71 = tpu.memref_slice %arg2[%dma_wait3A_69, %dma_wait3A_70] : memref<10000x128xf32, #tpu.memory_space<hbm>> -> memref<10000x128xf32, #tpu.memory_space<hbm>>
        tpu.wait_indirect_dma semaphore(%arg12 : memref<!tpu.dma_semaphore, #tpu.memory_space<semaphore_mem>>) src(%dma_wait3A_71 : memref<10000x128xf32, #tpu.memory_space<hbm>>) dst(%arg9 : memref<125x128xf32, #tpu.memory_space<vmem>>)
        %dma_start3A_72 = arith.constant 0 : i32
        %dma_start3A_73 = tpu.memref_slice %arg7[%mul3A_45, %dma_start3A_72] : memref<40x125xi32, #tpu.memory_space<vmem>> -> memref<1x125xi32, #tpu.memory_space<vmem>>
        %dma_start3A_74 = tpu.memref_squeeze %dma_start3A_73 : memref<1x125xi32, #tpu.memory_space<vmem>> -> memref<125xi32, #tpu.memory_space<vmem>>
        %dma_start3A_75 = arith.constant 0 : i32
        %dma_start3A_76 = arith.constant 0 : i32
        %dma_start3A_77 = tpu.memref_slice %arg11[%dma_start3A_75, %dma_start3A_76] : memref<10240x128xf32, #tpu.memory_space<vmem_shared>> -> memref<10240x128xf32, #tpu.memory_space<vmem_shared>>
        tpu.enqueue_indirect_dma source(%arg9 : memref<125x128xf32, #tpu.memory_space<vmem>>) target(%dma_start3A_77 : memref<10240x128xf32, #tpu.memory_space<vmem_shared>>) offsets(%dma_start3A_74 : memref<125xi32, #tpu.memory_space<vmem>>) semaphore(%arg14 : memref<!tpu.dma_semaphore, #tpu.memory_space<semaphore_mem>>) {add = true}
        %dma_wait3A_78 = arith.constant 0 : i32
        %dma_wait3A_79 = tpu.memref_slice %arg8[%add3A_47, %dma_wait3A_78] : memref<40x125xi32, #tpu.memory_space<vmem>> -> memref<1x125xi32, #tpu.memory_space<vmem>>
        %dma_wait3A_80 = tpu.memref_squeeze %dma_wait3A_79 : memref<1x125xi32, #tpu.memory_space<vmem>> -> memref<125xi32, #tpu.memory_space<vmem>>
        %dma_wait3A_81 = arith.constant 0 : i32
        %dma_wait3A_82 = arith.constant 0 : i32
        %dma_wait3A_83 = tpu.memref_slice %arg2[%dma_wait3A_81, %dma_wait3A_82] : memref<10000x128xf32, #tpu.memory_space<hbm>> -> memref<10000x128xf32, #tpu.memory_space<hbm>>
        tpu.wait_indirect_dma semaphore(%arg13 : memref<!tpu.dma_semaphore, #tpu.memory_space<semaphore_mem>>) src(%dma_wait3A_83 : memref<10000x128xf32, #tpu.memory_space<hbm>>) dst(%arg10 : memref<125x128xf32, #tpu.memory_space<vmem>>)
        %dma_start3A_84 = arith.constant 0 : i32
        %dma_start3A_85 = tpu.memref_slice %arg7[%add3A_47, %dma_start3A_84] : memref<40x125xi32, #tpu.memory_space<vmem>> -> memref<1x125xi32, #tpu.memory_space<vmem>>
        %dma_start3A_86 = tpu.memref_squeeze %dma_start3A_85 : memref<1x125xi32, #tpu.memory_space<vmem>> -> memref<125xi32, #tpu.memory_space<vmem>>
        %dma_start3A_87 = arith.constant 0 : i32
        %dma_start3A_88 = arith.constant 0 : i32
        %dma_start3A_89 = tpu.memref_slice %arg11[%dma_start3A_87, %dma_start3A_88] : memref<10240x128xf32, #tpu.memory_space<vmem_shared>> -> memref<10240x128xf32, #tpu.memory_space<vmem_shared>>
        tpu.enqueue_indirect_dma source(%arg10 : memref<125x128xf32, #tpu.memory_space<vmem>>) target(%dma_start3A_89 : memref<10240x128xf32, #tpu.memory_space<vmem_shared>>) offsets(%dma_start3A_86 : memref<125xi32, #tpu.memory_space<vmem>>) semaphore(%arg15 : memref<!tpu.dma_semaphore, #tpu.memory_space<semaphore_mem>>) {add = true}
      }
      %scan3A_29 = arith.constant 20 : i32
      %dma_wait3A = arith.constant 38 : i32
      %dma_wait3A_30 = arith.constant 0 : i32
      %dma_wait3A_31 = tpu.memref_slice %arg7[%dma_wait3A, %dma_wait3A_30] : memref<40x125xi32, #tpu.memory_space<vmem>> -> memref<1x125xi32, #tpu.memory_space<vmem>>
      %dma_wait3A_32 = tpu.memref_squeeze %dma_wait3A_31 : memref<1x125xi32, #tpu.memory_space<vmem>> -> memref<125xi32, #tpu.memory_space<vmem>>
      %dma_wait3A_33 = arith.constant 0 : i32
      %dma_wait3A_34 = arith.constant 0 : i32
      %dma_wait3A_35 = tpu.memref_slice %arg11[%dma_wait3A_33, %dma_wait3A_34] : memref<10240x128xf32, #tpu.memory_space<vmem_shared>> -> memref<10240x128xf32, #tpu.memory_space<vmem_shared>>
      tpu.wait_indirect_dma semaphore(%arg14 : memref<!tpu.dma_semaphore, #tpu.memory_space<semaphore_mem>>) src(%arg9 : memref<125x128xf32, #tpu.memory_space<vmem>>) dst(%dma_wait3A_35 : memref<10240x128xf32, #tpu.memory_space<vmem_shared>>)
      %dma_wait3A_36 = arith.constant 39 : i32
      %dma_wait3A_37 = arith.constant 0 : i32
      %dma_wait3A_38 = tpu.memref_slice %arg7[%dma_wait3A_36, %dma_wait3A_37] : memref<40x125xi32, #tpu.memory_space<vmem>> -> memref<1x125xi32, #tpu.memory_space<vmem>>
      %dma_wait3A_39 = tpu.memref_squeeze %dma_wait3A_38 : memref<1x125xi32, #tpu.memory_space<vmem>> -> memref<125xi32, #tpu.memory_space<vmem>>
      %dma_wait3A_40 = arith.constant 0 : i32
      %dma_wait3A_41 = arith.constant 0 : i32
      %dma_wait3A_42 = tpu.memref_slice %arg11[%dma_wait3A_40, %dma_wait3A_41] : memref<10240x128xf32, #tpu.memory_space<vmem_shared>> -> memref<10240x128xf32, #tpu.memory_space<vmem_shared>>
      tpu.wait_indirect_dma semaphore(%arg15 : memref<!tpu.dma_semaphore, #tpu.memory_space<semaphore_mem>>) src(%arg10 : memref<125x128xf32, #tpu.memory_space<vmem>>) dst(%dma_wait3A_42 : memref<10240x128xf32, #tpu.memory_space<vmem_shared>>)
    }
    %scan3A_9 = arith.constant 2 : i32
    %barrier3A_10 = arith.constant 0 : index
    tpu.barrier barrier_id(%barrier3A_10)
    %mul3A_11 = arith.constant 10240 : i32
    %mul3A_12 = arith.muli %arg0, %mul3A_11 : i32
    %mul3A_13 = arith.constant 640 : i32
    %mul3A_14 = arith.muli %arg1, %mul3A_13 : i32
    %add3A_15 = arith.addi %mul3A_12, %mul3A_14 : i32
    %mul3A_16 = arith.constant 640 : i32
    %mul3A_17 = arith.muli %arg1, %mul3A_16 : i32
    "tpu.region"() ({
      %run_scoped3A = tpu.sem_alloc : memref<!tpu.dma_semaphore, #tpu.memory_space<semaphore_mem>>
      %dma_start3A = arith.constant 0 : i32
      %dma_start3A_18 = tpu.memref_slice %arg6[%add3A_15, %dma_start3A] : memref<20480x128xf32, #tpu.memory_space<hbm>> -> memref<640x128xf32, #tpu.memory_space<hbm>>
      %dma_start3A_19 = arith.constant 0 : i32
      %dma_start3A_20 = tpu.memref_slice %arg11[%mul3A_17, %dma_start3A_19] : memref<10240x128xf32, #tpu.memory_space<vmem_shared>> -> memref<640x128xf32, #tpu.memory_space<vmem_shared>>
      tpu.enqueue_dma source(%dma_start3A_20 : memref<640x128xf32, #tpu.memory_space<vmem_shared>>) target(%dma_start3A_18 : memref<640x128xf32, #tpu.memory_space<hbm>>) target_semaphore(%run_scoped3A : memref<!tpu.dma_semaphore, #tpu.memory_space<semaphore_mem>>)
      %dma_wait3A = arith.constant 0 : i32
      %dma_wait3A_21 = tpu.memref_slice %arg6[%add3A_15, %dma_wait3A] : memref<20480x128xf32, #tpu.memory_space<hbm>> -> memref<640x128xf32, #tpu.memory_space<hbm>>
      %dma_wait3A_22 = arith.constant 0 : i32
      %dma_wait3A_23 = tpu.memref_slice %arg11[%mul3A_17, %dma_wait3A_22] : memref<10240x128xf32, #tpu.memory_space<vmem_shared>> -> memref<640x128xf32, #tpu.memory_space<vmem_shared>>
      tpu.wait_dma2 semaphore(%run_scoped3A : memref<!tpu.dma_semaphore, #tpu.memory_space<semaphore_mem>>) src(%dma_wait3A_23 : memref<640x128xf32, #tpu.memory_space<vmem_shared>>) dst(%dma_wait3A_21 : memref<640x128xf32, #tpu.memory_space<hbm>>)
      tpu.yield
    }) : () -> ()
    return
  }
}

#map = affine_map<(d0, d1) -> (0, 0)>
#map1 = affine_map<(d0, d1) -> (0, 0, 0)>
module attributes {stable_mosaic.version = 14 : i64} {
  func.func @_ln_body(%arg0: i32, %arg1: i32, %arg2: memref<10240x128xi32, #tpu.memory_space<hbm>>, %arg3: memref<32x50x128xi32, #tpu.memory_space<hbm>>, %arg4: memref<32x50x128xi32, #tpu.memory_space<hbm>>, %arg5: memref<204800x128xi32, #tpu.memory_space<hbm>>, %arg6: memref<204800x128xi32, #tpu.memory_space<hbm>>, %arg7: memref<50x128xi32, #tpu.memory_space<vmem>>, %arg8: memref<50x128xi32, #tpu.memory_space<vmem>>, %arg9: memref<128x128xi32, #tpu.memory_space<vmem>>, %arg10: memref<128x128xi32, #tpu.memory_space<vmem>>, %arg11: memref<128x128xi32, #tpu.memory_space<vmem>>, %arg12: memref<128x128xi32, #tpu.memory_space<vmem>>, %arg13: memref<!tpu.dma_semaphore, #tpu.memory_space<semaphore_mem>>, %arg14: memref<!tpu.dma_semaphore, #tpu.memory_space<semaphore_mem>>, %arg15: memref<!tpu.dma_semaphore, #tpu.memory_space<semaphore_mem>>, %arg16: memref<!tpu.dma_semaphore, #tpu.memory_space<semaphore_mem>>) attributes {dimension_semantics = [#tpu.dimension_semantics<core_parallel>, #tpu.dimension_semantics<subcore_parallel>], iteration_bounds = array<i64: 2, 16>, scalar_prefetch = 0 : i64, scratch_operands = 10 : i64, tpu.core_type = #tpu.core_type<sc_vector_subcore>, window_params = [{transform_indices = #map}, {transform_indices = #map1}, {transform_indices = #map1}, {transform_indices = #map}, {transform_indices = #map}]} {
    %mul3A = arith.constant 2 : i32
    %mul3A_0 = arith.muli %arg1, %mul3A : i32
    %add3A = arith.addi %mul3A_0, %arg0 : i32
    "tpu.region"() ({
      %run_scoped3A = tpu.sem_alloc : memref<!tpu.dma_semaphore, #tpu.memory_space<semaphore_mem>>
      %dma_start3A = arith.constant 0 : i32
      %dma_start3A_29 = arith.constant 0 : i32
      %dma_start3A_30 = tpu.memref_slice %arg3[%add3A, %dma_start3A, %dma_start3A_29] : memref<32x50x128xi32, #tpu.memory_space<hbm>> -> memref<1x50x128xi32, #tpu.memory_space<hbm>>
      %dma_start3A_31 = tpu.memref_squeeze %dma_start3A_30 : memref<1x50x128xi32, #tpu.memory_space<hbm>> -> memref<50x128xi32, #tpu.memory_space<hbm>>
      %dma_start3A_32 = arith.constant 0 : i32
      %dma_start3A_33 = arith.constant 0 : i32
      %dma_start3A_34 = tpu.memref_slice %arg3[%add3A, %dma_start3A_32, %dma_start3A_33] : memref<32x50x128xi32, #tpu.memory_space<hbm>> -> memref<1x50x128xi32, #tpu.memory_space<hbm>>
      %dma_start3A_35 = tpu.memref_squeeze %dma_start3A_34 : memref<1x50x128xi32, #tpu.memory_space<hbm>> -> memref<50x128xi32, #tpu.memory_space<hbm>>
      tpu.enqueue_dma source(%dma_start3A_35 : memref<50x128xi32, #tpu.memory_space<hbm>>) target(%arg7 : memref<50x128xi32, #tpu.memory_space<vmem>>) target_semaphore(%run_scoped3A : memref<!tpu.dma_semaphore, #tpu.memory_space<semaphore_mem>>)
      %dma_wait3A_36 = arith.constant 0 : i32
      %dma_wait3A_37 = arith.constant 0 : i32
      %dma_wait3A_38 = tpu.memref_slice %arg3[%add3A, %dma_wait3A_36, %dma_wait3A_37] : memref<32x50x128xi32, #tpu.memory_space<hbm>> -> memref<1x50x128xi32, #tpu.memory_space<hbm>>
      %dma_wait3A_39 = tpu.memref_squeeze %dma_wait3A_38 : memref<1x50x128xi32, #tpu.memory_space<hbm>> -> memref<50x128xi32, #tpu.memory_space<hbm>>
      %dma_wait3A_40 = arith.constant 0 : i32
      %dma_wait3A_41 = arith.constant 0 : i32
      %dma_wait3A_42 = tpu.memref_slice %arg3[%add3A, %dma_wait3A_40, %dma_wait3A_41] : memref<32x50x128xi32, #tpu.memory_space<hbm>> -> memref<1x50x128xi32, #tpu.memory_space<hbm>>
      %dma_wait3A_43 = tpu.memref_squeeze %dma_wait3A_42 : memref<1x50x128xi32, #tpu.memory_space<hbm>> -> memref<50x128xi32, #tpu.memory_space<hbm>>
      tpu.wait_dma2 semaphore(%run_scoped3A : memref<!tpu.dma_semaphore, #tpu.memory_space<semaphore_mem>>) src(%dma_wait3A_43 : memref<50x128xi32, #tpu.memory_space<hbm>>) dst(%arg7 : memref<50x128xi32, #tpu.memory_space<vmem>>)
      tpu.yield
    }) : () -> ()
    "tpu.region"() ({
      %run_scoped3A = tpu.sem_alloc : memref<!tpu.dma_semaphore, #tpu.memory_space<semaphore_mem>>
      %dma_start3A = arith.constant 0 : i32
      %dma_start3A_29 = arith.constant 0 : i32
      %dma_start3A_30 = tpu.memref_slice %arg4[%add3A, %dma_start3A, %dma_start3A_29] : memref<32x50x128xi32, #tpu.memory_space<hbm>> -> memref<1x50x128xi32, #tpu.memory_space<hbm>>
      %dma_start3A_31 = tpu.memref_squeeze %dma_start3A_30 : memref<1x50x128xi32, #tpu.memory_space<hbm>> -> memref<50x128xi32, #tpu.memory_space<hbm>>
      %dma_start3A_32 = arith.constant 0 : i32
      %dma_start3A_33 = arith.constant 0 : i32
      %dma_start3A_34 = tpu.memref_slice %arg4[%add3A, %dma_start3A_32, %dma_start3A_33] : memref<32x50x128xi32, #tpu.memory_space<hbm>> -> memref<1x50x128xi32, #tpu.memory_space<hbm>>
      %dma_start3A_35 = tpu.memref_squeeze %dma_start3A_34 : memref<1x50x128xi32, #tpu.memory_space<hbm>> -> memref<50x128xi32, #tpu.memory_space<hbm>>
      tpu.enqueue_dma source(%dma_start3A_35 : memref<50x128xi32, #tpu.memory_space<hbm>>) target(%arg8 : memref<50x128xi32, #tpu.memory_space<vmem>>) target_semaphore(%run_scoped3A : memref<!tpu.dma_semaphore, #tpu.memory_space<semaphore_mem>>)
      %dma_wait3A_36 = arith.constant 0 : i32
      %dma_wait3A_37 = arith.constant 0 : i32
      %dma_wait3A_38 = tpu.memref_slice %arg4[%add3A, %dma_wait3A_36, %dma_wait3A_37] : memref<32x50x128xi32, #tpu.memory_space<hbm>> -> memref<1x50x128xi32, #tpu.memory_space<hbm>>
      %dma_wait3A_39 = tpu.memref_squeeze %dma_wait3A_38 : memref<1x50x128xi32, #tpu.memory_space<hbm>> -> memref<50x128xi32, #tpu.memory_space<hbm>>
      %dma_wait3A_40 = arith.constant 0 : i32
      %dma_wait3A_41 = arith.constant 0 : i32
      %dma_wait3A_42 = tpu.memref_slice %arg4[%add3A, %dma_wait3A_40, %dma_wait3A_41] : memref<32x50x128xi32, #tpu.memory_space<hbm>> -> memref<1x50x128xi32, #tpu.memory_space<hbm>>
      %dma_wait3A_43 = tpu.memref_squeeze %dma_wait3A_42 : memref<1x50x128xi32, #tpu.memory_space<hbm>> -> memref<50x128xi32, #tpu.memory_space<hbm>>
      tpu.wait_dma2 semaphore(%run_scoped3A : memref<!tpu.dma_semaphore, #tpu.memory_space<semaphore_mem>>) src(%dma_wait3A_43 : memref<50x128xi32, #tpu.memory_space<hbm>>) dst(%arg8 : memref<50x128xi32, #tpu.memory_space<vmem>>)
      tpu.yield
    }) : () -> ()
    %scan3A = arith.constant 0 : i32
    %scan3A_1 = arith.constant 0 : i32
    %scan3A_2 = arith.constant 25 : i32
    %scan3A_3 = arith.addi %scan3A_1, %scan3A_2 : i32
    %scan3A_4 = arith.constant 1 : i32
    scf.for %scan3A_29 = %scan3A_1 to %scan3A_3 step %scan3A_4  : i32 {
      %mul3A_30 = arith.constant 2 : i32
      %mul3A_31 = arith.muli %mul3A_30, %scan3A_29 : i32
      %add3A_32 = arith.constant 1 : i32
      %add3A_33 = arith.addi %mul3A_31, %add3A_32 : i32
      %gt3A = arith.constant 0 : i32
      %gt3A_34 = arith.cmpi sgt, %scan3A_29, %gt3A : i32
      %convert_element_type3A = arith.extui %gt3A_34 : i1 to i32
      %cond3A = arith.constant 0 : i32
      %cond3A_35 = arith.cmpi ne, %convert_element_type3A, %cond3A : i32
      scf.if %cond3A_35 {
        %sub3A = arith.constant 2 : i32
        %sub3A_114 = arith.subi %mul3A_31, %sub3A : i32
        %mul3A_115 = arith.constant 6400 : i32
        %mul3A_116 = arith.muli %add3A, %mul3A_115 : i32
        %mul3A_117 = arith.constant 128 : i32
        %mul3A_118 = arith.muli %sub3A_114, %mul3A_117 : i32
        %add3A_119 = arith.addi %mul3A_116, %mul3A_118 : i32
        %dma_wait3A_120 = arith.constant 0 : i32
        %dma_wait3A_121 = tpu.memref_slice %arg5[%add3A_119, %dma_wait3A_120] : memref<204800x128xi32, #tpu.memory_space<hbm>> -> memref<128x128xi32, #tpu.memory_space<hbm>>
        %dma_wait3A_122 = arith.constant 0 : i32
        %dma_wait3A_123 = tpu.memref_slice %arg5[%add3A_119, %dma_wait3A_122] : memref<204800x128xi32, #tpu.memory_space<hbm>> -> memref<128x128xi32, #tpu.memory_space<hbm>>
        tpu.wait_dma2 semaphore(%arg15 : memref<!tpu.dma_semaphore, #tpu.memory_space<semaphore_mem>>) src(%arg9 : memref<128x128xi32, #tpu.memory_space<vmem>>) dst(%dma_wait3A_123 : memref<128x128xi32, #tpu.memory_space<hbm>>)
        %dma_wait3A_124 = arith.constant 0 : i32
        %dma_wait3A_125 = tpu.memref_slice %arg6[%add3A_119, %dma_wait3A_124] : memref<204800x128xi32, #tpu.memory_space<hbm>> -> memref<128x128xi32, #tpu.memory_space<hbm>>
        %dma_wait3A_126 = arith.constant 0 : i32
        %dma_wait3A_127 = tpu.memref_slice %arg6[%add3A_119, %dma_wait3A_126] : memref<204800x128xi32, #tpu.memory_space<hbm>> -> memref<128x128xi32, #tpu.memory_space<hbm>>
        tpu.wait_dma2 semaphore(%arg15 : memref<!tpu.dma_semaphore, #tpu.memory_space<semaphore_mem>>) src(%arg10 : memref<128x128xi32, #tpu.memory_space<vmem>>) dst(%dma_wait3A_127 : memref<128x128xi32, #tpu.memory_space<hbm>>)
      } else {
      }
      %dma_start3A = arith.constant 0 : i32
      %dma_start3A_36 = tpu.memref_slice %arg7[%mul3A_31, %dma_start3A] : memref<50x128xi32, #tpu.memory_space<vmem>> -> memref<1x128xi32, #tpu.memory_space<vmem>>
      %dma_start3A_37 = tpu.memref_squeeze %dma_start3A_36 : memref<1x128xi32, #tpu.memory_space<vmem>> -> memref<128xi32, #tpu.memory_space<vmem>>
      %dma_start3A_38 = arith.constant 0 : i32
      %dma_start3A_39 = arith.constant 0 : i32
      %dma_start3A_40 = tpu.memref_slice %arg2[%dma_start3A_38, %dma_start3A_39] : memref<10240x128xi32, #tpu.memory_space<hbm>> -> memref<10240x128xi32, #tpu.memory_space<hbm>>
      tpu.enqueue_indirect_dma source(%dma_start3A_40 : memref<10240x128xi32, #tpu.memory_space<hbm>>) target(%arg9 : memref<128x128xi32, #tpu.memory_space<vmem>>) offsets(%dma_start3A_37 : memref<128xi32, #tpu.memory_space<vmem>>) semaphore(%arg13 : memref<!tpu.dma_semaphore, #tpu.memory_space<semaphore_mem>>)
      %dma_start3A_41 = arith.constant 0 : i32
      %dma_start3A_42 = tpu.memref_slice %arg8[%mul3A_31, %dma_start3A_41] : memref<50x128xi32, #tpu.memory_space<vmem>> -> memref<1x128xi32, #tpu.memory_space<vmem>>
      %dma_start3A_43 = tpu.memref_squeeze %dma_start3A_42 : memref<1x128xi32, #tpu.memory_space<vmem>> -> memref<128xi32, #tpu.memory_space<vmem>>
      %dma_start3A_44 = arith.constant 0 : i32
      %dma_start3A_45 = arith.constant 0 : i32
      %dma_start3A_46 = tpu.memref_slice %arg2[%dma_start3A_44, %dma_start3A_45] : memref<10240x128xi32, #tpu.memory_space<hbm>> -> memref<10240x128xi32, #tpu.memory_space<hbm>>
      tpu.enqueue_indirect_dma source(%dma_start3A_46 : memref<10240x128xi32, #tpu.memory_space<hbm>>) target(%arg10 : memref<128x128xi32, #tpu.memory_space<vmem>>) offsets(%dma_start3A_43 : memref<128xi32, #tpu.memory_space<vmem>>) semaphore(%arg13 : memref<!tpu.dma_semaphore, #tpu.memory_space<semaphore_mem>>)
      %gt3A_47 = arith.constant 0 : i32
      %gt3A_48 = arith.cmpi sgt, %scan3A_29, %gt3A_47 : i32
      %convert_element_type3A_49 = arith.extui %gt3A_48 : i1 to i32
      %cond3A_50 = arith.constant 0 : i32
      %cond3A_51 = arith.cmpi ne, %convert_element_type3A_49, %cond3A_50 : i32
      scf.if %cond3A_51 {
        %sub3A = arith.constant 1 : i32
        %sub3A_114 = arith.subi %mul3A_31, %sub3A : i32
        %mul3A_115 = arith.constant 6400 : i32
        %mul3A_116 = arith.muli %add3A, %mul3A_115 : i32
        %mul3A_117 = arith.constant 128 : i32
        %mul3A_118 = arith.muli %sub3A_114, %mul3A_117 : i32
        %add3A_119 = arith.addi %mul3A_116, %mul3A_118 : i32
        %dma_wait3A_120 = arith.constant 0 : i32
        %dma_wait3A_121 = tpu.memref_slice %arg5[%add3A_119, %dma_wait3A_120] : memref<204800x128xi32, #tpu.memory_space<hbm>> -> memref<128x128xi32, #tpu.memory_space<hbm>>
        %dma_wait3A_122 = arith.constant 0 : i32
        %dma_wait3A_123 = tpu.memref_slice %arg5[%add3A_119, %dma_wait3A_122] : memref<204800x128xi32, #tpu.memory_space<hbm>> -> memref<128x128xi32, #tpu.memory_space<hbm>>
        tpu.wait_dma2 semaphore(%arg16 : memref<!tpu.dma_semaphore, #tpu.memory_space<semaphore_mem>>) src(%arg11 : memref<128x128xi32, #tpu.memory_space<vmem>>) dst(%dma_wait3A_123 : memref<128x128xi32, #tpu.memory_space<hbm>>)
        %dma_wait3A_124 = arith.constant 0 : i32
        %dma_wait3A_125 = tpu.memref_slice %arg6[%add3A_119, %dma_wait3A_124] : memref<204800x128xi32, #tpu.memory_space<hbm>> -> memref<128x128xi32, #tpu.memory_space<hbm>>
        %dma_wait3A_126 = arith.constant 0 : i32
        %dma_wait3A_127 = tpu.memref_slice %arg6[%add3A_119, %dma_wait3A_126] : memref<204800x128xi32, #tpu.memory_space<hbm>> -> memref<128x128xi32, #tpu.memory_space<hbm>>
        tpu.wait_dma2 semaphore(%arg16 : memref<!tpu.dma_semaphore, #tpu.memory_space<semaphore_mem>>) src(%arg12 : memref<128x128xi32, #tpu.memory_space<vmem>>) dst(%dma_wait3A_127 : memref<128x128xi32, #tpu.memory_space<hbm>>)
      } else {
      }
      %dma_start3A_52 = arith.constant 0 : i32
      %dma_start3A_53 = tpu.memref_slice %arg7[%add3A_33, %dma_start3A_52] : memref<50x128xi32, #tpu.memory_space<vmem>> -> memref<1x128xi32, #tpu.memory_space<vmem>>
      %dma_start3A_54 = tpu.memref_squeeze %dma_start3A_53 : memref<1x128xi32, #tpu.memory_space<vmem>> -> memref<128xi32, #tpu.memory_space<vmem>>
      %dma_start3A_55 = arith.constant 0 : i32
      %dma_start3A_56 = arith.constant 0 : i32
      %dma_start3A_57 = tpu.memref_slice %arg2[%dma_start3A_55, %dma_start3A_56] : memref<10240x128xi32, #tpu.memory_space<hbm>> -> memref<10240x128xi32, #tpu.memory_space<hbm>>
      tpu.enqueue_indirect_dma source(%dma_start3A_57 : memref<10240x128xi32, #tpu.memory_space<hbm>>) target(%arg11 : memref<128x128xi32, #tpu.memory_space<vmem>>) offsets(%dma_start3A_54 : memref<128xi32, #tpu.memory_space<vmem>>) semaphore(%arg14 : memref<!tpu.dma_semaphore, #tpu.memory_space<semaphore_mem>>)
      %dma_start3A_58 = arith.constant 0 : i32
      %dma_start3A_59 = tpu.memref_slice %arg8[%add3A_33, %dma_start3A_58] : memref<50x128xi32, #tpu.memory_space<vmem>> -> memref<1x128xi32, #tpu.memory_space<vmem>>
      %dma_start3A_60 = tpu.memref_squeeze %dma_start3A_59 : memref<1x128xi32, #tpu.memory_space<vmem>> -> memref<128xi32, #tpu.memory_space<vmem>>
      %dma_start3A_61 = arith.constant 0 : i32
      %dma_start3A_62 = arith.constant 0 : i32
      %dma_start3A_63 = tpu.memref_slice %arg2[%dma_start3A_61, %dma_start3A_62] : memref<10240x128xi32, #tpu.memory_space<hbm>> -> memref<10240x128xi32, #tpu.memory_space<hbm>>
      tpu.enqueue_indirect_dma source(%dma_start3A_63 : memref<10240x128xi32, #tpu.memory_space<hbm>>) target(%arg12 : memref<128x128xi32, #tpu.memory_space<vmem>>) offsets(%dma_start3A_60 : memref<128xi32, #tpu.memory_space<vmem>>) semaphore(%arg14 : memref<!tpu.dma_semaphore, #tpu.memory_space<semaphore_mem>>)
      %dma_wait3A_64 = arith.constant 0 : i32
      %dma_wait3A_65 = tpu.memref_slice %arg7[%mul3A_31, %dma_wait3A_64] : memref<50x128xi32, #tpu.memory_space<vmem>> -> memref<1x128xi32, #tpu.memory_space<vmem>>
      %dma_wait3A_66 = tpu.memref_squeeze %dma_wait3A_65 : memref<1x128xi32, #tpu.memory_space<vmem>> -> memref<128xi32, #tpu.memory_space<vmem>>
      %dma_wait3A_67 = arith.constant 0 : i32
      %dma_wait3A_68 = arith.constant 0 : i32
      %dma_wait3A_69 = tpu.memref_slice %arg2[%dma_wait3A_67, %dma_wait3A_68] : memref<10240x128xi32, #tpu.memory_space<hbm>> -> memref<10240x128xi32, #tpu.memory_space<hbm>>
      tpu.wait_indirect_dma semaphore(%arg13 : memref<!tpu.dma_semaphore, #tpu.memory_space<semaphore_mem>>) src(%dma_wait3A_69 : memref<10240x128xi32, #tpu.memory_space<hbm>>) dst(%arg9 : memref<128x128xi32, #tpu.memory_space<vmem>>)
      %dma_wait3A_70 = arith.constant 0 : i32
      %dma_wait3A_71 = tpu.memref_slice %arg8[%mul3A_31, %dma_wait3A_70] : memref<50x128xi32, #tpu.memory_space<vmem>> -> memref<1x128xi32, #tpu.memory_space<vmem>>
      %dma_wait3A_72 = tpu.memref_squeeze %dma_wait3A_71 : memref<1x128xi32, #tpu.memory_space<vmem>> -> memref<128xi32, #tpu.memory_space<vmem>>
      %dma_wait3A_73 = arith.constant 0 : i32
      %dma_wait3A_74 = arith.constant 0 : i32
      %dma_wait3A_75 = tpu.memref_slice %arg2[%dma_wait3A_73, %dma_wait3A_74] : memref<10240x128xi32, #tpu.memory_space<hbm>> -> memref<10240x128xi32, #tpu.memory_space<hbm>>
      tpu.wait_indirect_dma semaphore(%arg13 : memref<!tpu.dma_semaphore, #tpu.memory_space<semaphore_mem>>) src(%dma_wait3A_75 : memref<10240x128xi32, #tpu.memory_space<hbm>>) dst(%arg10 : memref<128x128xi32, #tpu.memory_space<vmem>>)
      %mul3A_76 = arith.constant 6400 : i32
      %mul3A_77 = arith.muli %add3A, %mul3A_76 : i32
      %mul3A_78 = arith.constant 128 : i32
      %mul3A_79 = arith.muli %mul3A_31, %mul3A_78 : i32
      %add3A_80 = arith.addi %mul3A_77, %mul3A_79 : i32
      %dma_start3A_81 = arith.constant 0 : i32
      %dma_start3A_82 = tpu.memref_slice %arg5[%add3A_80, %dma_start3A_81] : memref<204800x128xi32, #tpu.memory_space<hbm>> -> memref<128x128xi32, #tpu.memory_space<hbm>>
      %dma_start3A_83 = arith.constant 0 : i32
      %dma_start3A_84 = tpu.memref_slice %arg5[%add3A_80, %dma_start3A_83] : memref<204800x128xi32, #tpu.memory_space<hbm>> -> memref<128x128xi32, #tpu.memory_space<hbm>>
      tpu.enqueue_dma source(%arg9 : memref<128x128xi32, #tpu.memory_space<vmem>>) target(%dma_start3A_84 : memref<128x128xi32, #tpu.memory_space<hbm>>) target_semaphore(%arg15 : memref<!tpu.dma_semaphore, #tpu.memory_space<semaphore_mem>>)
      %dma_start3A_85 = arith.constant 0 : i32
      %dma_start3A_86 = tpu.memref_slice %arg6[%add3A_80, %dma_start3A_85] : memref<204800x128xi32, #tpu.memory_space<hbm>> -> memref<128x128xi32, #tpu.memory_space<hbm>>
      %dma_start3A_87 = arith.constant 0 : i32
      %dma_start3A_88 = tpu.memref_slice %arg6[%add3A_80, %dma_start3A_87] : memref<204800x128xi32, #tpu.memory_space<hbm>> -> memref<128x128xi32, #tpu.memory_space<hbm>>
      tpu.enqueue_dma source(%arg10 : memref<128x128xi32, #tpu.memory_space<vmem>>) target(%dma_start3A_88 : memref<128x128xi32, #tpu.memory_space<hbm>>) target_semaphore(%arg15 : memref<!tpu.dma_semaphore, #tpu.memory_space<semaphore_mem>>)
      %dma_wait3A_89 = arith.constant 0 : i32
      %dma_wait3A_90 = tpu.memref_slice %arg7[%add3A_33, %dma_wait3A_89] : memref<50x128xi32, #tpu.memory_space<vmem>> -> memref<1x128xi32, #tpu.memory_space<vmem>>
      %dma_wait3A_91 = tpu.memref_squeeze %dma_wait3A_90 : memref<1x128xi32, #tpu.memory_space<vmem>> -> memref<128xi32, #tpu.memory_space<vmem>>
      %dma_wait3A_92 = arith.constant 0 : i32
      %dma_wait3A_93 = arith.constant 0 : i32
      %dma_wait3A_94 = tpu.memref_slice %arg2[%dma_wait3A_92, %dma_wait3A_93] : memref<10240x128xi32, #tpu.memory_space<hbm>> -> memref<10240x128xi32, #tpu.memory_space<hbm>>
      tpu.wait_indirect_dma semaphore(%arg14 : memref<!tpu.dma_semaphore, #tpu.memory_space<semaphore_mem>>) src(%dma_wait3A_94 : memref<10240x128xi32, #tpu.memory_space<hbm>>) dst(%arg11 : memref<128x128xi32, #tpu.memory_space<vmem>>)
      %dma_wait3A_95 = arith.constant 0 : i32
      %dma_wait3A_96 = tpu.memref_slice %arg8[%add3A_33, %dma_wait3A_95] : memref<50x128xi32, #tpu.memory_space<vmem>> -> memref<1x128xi32, #tpu.memory_space<vmem>>
      %dma_wait3A_97 = tpu.memref_squeeze %dma_wait3A_96 : memref<1x128xi32, #tpu.memory_space<vmem>> -> memref<128xi32, #tpu.memory_space<vmem>>
      %dma_wait3A_98 = arith.constant 0 : i32
      %dma_wait3A_99 = arith.constant 0 : i32
      %dma_wait3A_100 = tpu.memref_slice %arg2[%dma_wait3A_98, %dma_wait3A_99] : memref<10240x128xi32, #tpu.memory_space<hbm>> -> memref<10240x128xi32, #tpu.memory_space<hbm>>
      tpu.wait_indirect_dma semaphore(%arg14 : memref<!tpu.dma_semaphore, #tpu.memory_space<semaphore_mem>>) src(%dma_wait3A_100 : memref<10240x128xi32, #tpu.memory_space<hbm>>) dst(%arg12 : memref<128x128xi32, #tpu.memory_space<vmem>>)
      %mul3A_101 = arith.constant 6400 : i32
      %mul3A_102 = arith.muli %add3A, %mul3A_101 : i32
      %mul3A_103 = arith.constant 128 : i32
      %mul3A_104 = arith.muli %add3A_33, %mul3A_103 : i32
      %add3A_105 = arith.addi %mul3A_102, %mul3A_104 : i32
      %dma_start3A_106 = arith.constant 0 : i32
      %dma_start3A_107 = tpu.memref_slice %arg5[%add3A_105, %dma_start3A_106] : memref<204800x128xi32, #tpu.memory_space<hbm>> -> memref<128x128xi32, #tpu.memory_space<hbm>>
      %dma_start3A_108 = arith.constant 0 : i32
      %dma_start3A_109 = tpu.memref_slice %arg5[%add3A_105, %dma_start3A_108] : memref<204800x128xi32, #tpu.memory_space<hbm>> -> memref<128x128xi32, #tpu.memory_space<hbm>>
      tpu.enqueue_dma source(%arg11 : memref<128x128xi32, #tpu.memory_space<vmem>>) target(%dma_start3A_109 : memref<128x128xi32, #tpu.memory_space<hbm>>) target_semaphore(%arg16 : memref<!tpu.dma_semaphore, #tpu.memory_space<semaphore_mem>>)
      %dma_start3A_110 = arith.constant 0 : i32
      %dma_start3A_111 = tpu.memref_slice %arg6[%add3A_105, %dma_start3A_110] : memref<204800x128xi32, #tpu.memory_space<hbm>> -> memref<128x128xi32, #tpu.memory_space<hbm>>
      %dma_start3A_112 = arith.constant 0 : i32
      %dma_start3A_113 = tpu.memref_slice %arg6[%add3A_105, %dma_start3A_112] : memref<204800x128xi32, #tpu.memory_space<hbm>> -> memref<128x128xi32, #tpu.memory_space<hbm>>
      tpu.enqueue_dma source(%arg12 : memref<128x128xi32, #tpu.memory_space<vmem>>) target(%dma_start3A_113 : memref<128x128xi32, #tpu.memory_space<hbm>>) target_semaphore(%arg16 : memref<!tpu.dma_semaphore, #tpu.memory_space<semaphore_mem>>)
    }
    %scan3A_5 = arith.constant 25 : i32
    %mul3A_6 = arith.constant 6400 : i32
    %mul3A_7 = arith.muli %add3A, %mul3A_6 : i32
    %add3A_8 = arith.constant 6144 : i32
    %add3A_9 = arith.addi %mul3A_7, %add3A_8 : i32
    %dma_wait3A = arith.constant 0 : i32
    %dma_wait3A_10 = tpu.memref_slice %arg5[%add3A_9, %dma_wait3A] : memref<204800x128xi32, #tpu.memory_space<hbm>> -> memref<128x128xi32, #tpu.memory_space<hbm>>
    %dma_wait3A_11 = arith.constant 0 : i32
    %dma_wait3A_12 = tpu.memref_slice %arg5[%add3A_9, %dma_wait3A_11] : memref<204800x128xi32, #tpu.memory_space<hbm>> -> memref<128x128xi32, #tpu.memory_space<hbm>>
    tpu.wait_dma2 semaphore(%arg15 : memref<!tpu.dma_semaphore, #tpu.memory_space<semaphore_mem>>) src(%arg9 : memref<128x128xi32, #tpu.memory_space<vmem>>) dst(%dma_wait3A_12 : memref<128x128xi32, #tpu.memory_space<hbm>>)
    %dma_wait3A_13 = arith.constant 0 : i32
    %dma_wait3A_14 = tpu.memref_slice %arg6[%add3A_9, %dma_wait3A_13] : memref<204800x128xi32, #tpu.memory_space<hbm>> -> memref<128x128xi32, #tpu.memory_space<hbm>>
    %dma_wait3A_15 = arith.constant 0 : i32
    %dma_wait3A_16 = tpu.memref_slice %arg6[%add3A_9, %dma_wait3A_15] : memref<204800x128xi32, #tpu.memory_space<hbm>> -> memref<128x128xi32, #tpu.memory_space<hbm>>
    tpu.wait_dma2 semaphore(%arg15 : memref<!tpu.dma_semaphore, #tpu.memory_space<semaphore_mem>>) src(%arg10 : memref<128x128xi32, #tpu.memory_space<vmem>>) dst(%dma_wait3A_16 : memref<128x128xi32, #tpu.memory_space<hbm>>)
    %mul3A_17 = arith.constant 6400 : i32
    %mul3A_18 = arith.muli %add3A, %mul3A_17 : i32
    %add3A_19 = arith.constant 6272 : i32
    %add3A_20 = arith.addi %mul3A_18, %add3A_19 : i32
    %dma_wait3A_21 = arith.constant 0 : i32
    %dma_wait3A_22 = tpu.memref_slice %arg5[%add3A_20, %dma_wait3A_21] : memref<204800x128xi32, #tpu.memory_space<hbm>> -> memref<128x128xi32, #tpu.memory_space<hbm>>
    %dma_wait3A_23 = arith.constant 0 : i32
    %dma_wait3A_24 = tpu.memref_slice %arg5[%add3A_20, %dma_wait3A_23] : memref<204800x128xi32, #tpu.memory_space<hbm>> -> memref<128x128xi32, #tpu.memory_space<hbm>>
    tpu.wait_dma2 semaphore(%arg16 : memref<!tpu.dma_semaphore, #tpu.memory_space<semaphore_mem>>) src(%arg11 : memref<128x128xi32, #tpu.memory_space<vmem>>) dst(%dma_wait3A_24 : memref<128x128xi32, #tpu.memory_space<hbm>>)
    %dma_wait3A_25 = arith.constant 0 : i32
    %dma_wait3A_26 = tpu.memref_slice %arg6[%add3A_20, %dma_wait3A_25] : memref<204800x128xi32, #tpu.memory_space<hbm>> -> memref<128x128xi32, #tpu.memory_space<hbm>>
    %dma_wait3A_27 = arith.constant 0 : i32
    %dma_wait3A_28 = tpu.memref_slice %arg6[%add3A_20, %dma_wait3A_27] : memref<204800x128xi32, #tpu.memory_space<hbm>> -> memref<128x128xi32, #tpu.memory_space<hbm>>
    tpu.wait_dma2 semaphore(%arg16 : memref<!tpu.dma_semaphore, #tpu.memory_space<semaphore_mem>>) src(%arg12 : memref<128x128xi32, #tpu.memory_space<vmem>>) dst(%dma_wait3A_28 : memref<128x128xi32, #tpu.memory_space<hbm>>)
    return
  }
}

module attributes {stable_mosaic.version = 14 : i64} {
  func.func @_prep_body(%arg0: memref<10000x128xf32, #tpu.memory_space<vmem>>, %arg1: memref<10000x128xf32, #tpu.memory_space<vmem>>) attributes {dimension_semantics = [], scalar_prefetch = 0 : i64, scratch_operands = 0 : i64, tpu.core_type = #tpu.core_type<tc>} {
    %get3A = arith.constant 0 : index
    %get3A_0 = arith.constant 0 : index
    %get3A_1 = vector.load %arg0[%get3A, %get3A_0] : memref<10000x128xf32, #tpu.memory_space<vmem>>, vector<10000x128xf32>
    %reduce_sum3A = arith.constant dense<0.000000e+00> : vector<128xf32>
    %reduce_sum3A_2 = vector.multi_reduction <add>, %get3A_1, %reduce_sum3A [0] : vector<10000x128xf32> to vector<128xf32>
    %broadcast_in_dim3A = vector.shape_cast %reduce_sum3A_2 : vector<128xf32> to vector<1x128xf32>
    %div3A = arith.constant 1.000000e+04 : f32
    %div3A_3 = vector.broadcast %div3A : f32 to vector<1x128xf32>
    %div3A_4 = arith.divf %broadcast_in_dim3A, %div3A_3 : vector<1x128xf32>
    %sub3A = vector.broadcast %div3A_4 : vector<1x128xf32> to vector<10000x128xf32>
    %sub3A_5 = arith.subf %get3A_1, %sub3A : vector<10000x128xf32>
    %swap3A = arith.constant 0 : index
    %swap3A_6 = arith.constant 0 : index
    %swap3A_7 = vector.load %arg1[%swap3A, %swap3A_6] : memref<10000x128xf32, #tpu.memory_space<vmem>>, vector<10000x128xf32>
    tpu.vector_store %arg1[%swap3A, %swap3A_6], %sub3A_5 {strides = array<i32>} : memref<10000x128xf32, #tpu.memory_space<vmem>>, vector<10000x128xf32>,
    return
  }
}

module attributes {stable_mosaic.version = 14 : i64} {
  func.func @_node_body(%arg0: i32, %arg1: memref<2x1024x128xf32, #tpu.memory_space<vmem>>, %arg2: memref<128x128xf32, #tpu.memory_space<vmem>>, %arg3: memref<1024x128xf32, #tpu.memory_space<vmem>>, %arg4: memref<1024x128xi32, #tpu.memory_space<vmem>>) attributes {dimension_semantics = [#tpu.dimension_semantics<arbitrary>], iteration_bounds = array<i64: 10>, scalar_prefetch = 0 : i64, scratch_operands = 0 : i64, tpu.core_type = #tpu.core_type<tc>, window_params = [{transform_indices = @transform_0, window_bounds = array<i64: 2, 1024, 128>}, {pipeline_mode = #tpu.pipeline_mode<synchronous>, transform_indices = @transform_1, window_bounds = array<i64: 128, 128>}, {transform_indices = @transform_2, window_bounds = array<i64: 1024, 128>}, {transform_indices = @transform_3, window_bounds = array<i64: 1024, 128>}]} {
    %get3A = arith.constant 0 : index
    %get3A_0 = arith.constant 0 : index
    %get3A_1 = arith.constant 0 : index
    %get3A_2 = vector.load %arg1[%get3A, %get3A_0, %get3A_1] : memref<2x1024x128xf32, #tpu.memory_space<vmem>>, vector<1x1024x128xf32>
    %get3A_3 = vector.shape_cast %get3A_2 : vector<1x1024x128xf32> to vector<1024x128xf32>
    %get3A_4 = arith.constant 1 : index
    %get3A_5 = arith.constant 0 : index
    %get3A_6 = arith.constant 0 : index
    %get3A_7 = vector.load %arg1[%get3A_4, %get3A_5, %get3A_6] : memref<2x1024x128xf32, #tpu.memory_space<vmem>>, vector<1x1024x128xf32>
    %get3A_8 = vector.shape_cast %get3A_7 : vector<1x1024x128xf32> to vector<1024x128xf32>
    %add3A = arith.addf %get3A_3, %get3A_8 : vector<1024x128xf32>
    %get3A_9 = arith.constant 0 : index
    %get3A_10 = arith.constant 0 : index
    %get3A_11 = vector.load %arg2[%get3A_9, %get3A_10] : memref<128x128xf32, #tpu.memory_space<vmem>>, vector<128x128xf32>
    %dot_general3A = arith.constant dense<0.000000e+00> : vector<1024x128xf32>
    %dot_general3A_12 = tpu.matmul %add3A, %get3A_11, %dot_general3A {dimension_numbers = #tpu.dot_dimension_numbers<[1], [0], [0], [1], [0, 0, 1, 1], [], []>, transpose_lhs_hint = false} : vector<1024x128xf32>, vector<128x128xf32>, vector<1024x128xf32> -> vector<1024x128xf32>
    %max3A = arith.constant 0.000000e+00 : f32
    %max3A_13 = vector.broadcast %max3A : f32 to vector<1024x128xf32>
    %max3A_14 = arith.maximumf %dot_general3A_12, %max3A_13 : vector<1024x128xf32>
    %bitcast_convert_type3A = tpu.bitcast %max3A_14 : vector<1024x128xf32> -> vector<1024x128xi32>
    %slice3A = vector.extract_strided_slice %bitcast_convert_type3A {offsets = [0, 0], sizes = [1024, 64], strides = [1, 1]} : vector<1024x128xi32> to vector<1024x64xi32>
    %add3A_15 = arith.constant 32767 : i32
    %add3A_16 = vector.broadcast %add3A_15 : i32 to vector<1024x64xi32>
    %add3A_17 = arith.addi %slice3A, %add3A_16 : vector<1024x64xi32>
    %shift_right_logical3A = arith.constant 16 : i32
    %shift_right_logical3A_18 = vector.broadcast %shift_right_logical3A : i32 to vector<1024x64xi32>
    %shift_right_logical3A_19 = arith.shrui %slice3A, %shift_right_logical3A_18 : vector<1024x64xi32>
    %and3A = arith.constant 1 : i32
    %and3A_20 = vector.broadcast %and3A : i32 to vector<1024x64xi32>
    %and3A_21 = arith.andi %shift_right_logical3A_19, %and3A_20 : vector<1024x64xi32>
    %add3A_22 = arith.addi %add3A_17, %and3A_21 : vector<1024x64xi32>
    %and3A_23 = arith.constant -65536 : i32
    %and3A_24 = vector.broadcast %and3A_23 : i32 to vector<1024x64xi32>
    %and3A_25 = arith.andi %add3A_22, %and3A_24 : vector<1024x64xi32>
    %slice3A_26 = vector.extract_strided_slice %bitcast_convert_type3A {offsets = [0, 64], sizes = [1024, 64], strides = [1, 1]} : vector<1024x128xi32> to vector<1024x64xi32>
    %add3A_27 = arith.constant 32767 : i32
    %add3A_28 = vector.broadcast %add3A_27 : i32 to vector<1024x64xi32>
    %add3A_29 = arith.addi %slice3A_26, %add3A_28 : vector<1024x64xi32>
    %shift_right_logical3A_30 = arith.constant 16 : i32
    %shift_right_logical3A_31 = vector.broadcast %shift_right_logical3A_30 : i32 to vector<1024x64xi32>
    %shift_right_logical3A_32 = arith.shrui %slice3A_26, %shift_right_logical3A_31 : vector<1024x64xi32>
    %and3A_33 = arith.constant 1 : i32
    %and3A_34 = vector.broadcast %and3A_33 : i32 to vector<1024x64xi32>
    %and3A_35 = arith.andi %shift_right_logical3A_32, %and3A_34 : vector<1024x64xi32>
    %add3A_36 = arith.addi %add3A_29, %and3A_35 : vector<1024x64xi32>
    %shift_right_logical3A_37 = arith.constant 16 : i32
    %shift_right_logical3A_38 = vector.broadcast %shift_right_logical3A_37 : i32 to vector<1024x64xi32>
    %shift_right_logical3A_39 = arith.shrui %add3A_36, %shift_right_logical3A_38 : vector<1024x64xi32>
    %or3A = arith.ori %and3A_25, %shift_right_logical3A_39 : vector<1024x64xi32>
    %bitcast_convert_type3A_40 = tpu.bitcast %or3A : vector<1024x64xi32> -> vector<1024x64xi32>
    %get3A_41 = arith.constant 0 : index
    %get3A_42 = arith.constant 0 : index
    %get3A_43 = vector.load %arg3[%get3A_41, %get3A_42] : memref<1024x128xf32, #tpu.memory_space<vmem>>, vector<1024x128xf32>
    %bitcast_convert_type3A_44 = tpu.bitcast %get3A_43 : vector<1024x128xf32> -> vector<1024x128xi32>
    %slice3A_45 = vector.extract_strided_slice %bitcast_convert_type3A_44 {offsets = [0, 0], sizes = [1024, 64], strides = [1, 1]} : vector<1024x128xi32> to vector<1024x64xi32>
    %add3A_46 = arith.constant 32767 : i32
    %add3A_47 = vector.broadcast %add3A_46 : i32 to vector<1024x64xi32>
    %add3A_48 = arith.addi %slice3A_45, %add3A_47 : vector<1024x64xi32>
    %shift_right_logical3A_49 = arith.constant 16 : i32
    %shift_right_logical3A_50 = vector.broadcast %shift_right_logical3A_49 : i32 to vector<1024x64xi32>
    %shift_right_logical3A_51 = arith.shrui %slice3A_45, %shift_right_logical3A_50 : vector<1024x64xi32>
    %and3A_52 = arith.constant 1 : i32
    %and3A_53 = vector.broadcast %and3A_52 : i32 to vector<1024x64xi32>
    %and3A_54 = arith.andi %shift_right_logical3A_51, %and3A_53 : vector<1024x64xi32>
    %add3A_55 = arith.addi %add3A_48, %and3A_54 : vector<1024x64xi32>
    %and3A_56 = arith.constant -65536 : i32
    %and3A_57 = vector.broadcast %and3A_56 : i32 to vector<1024x64xi32>
    %and3A_58 = arith.andi %add3A_55, %and3A_57 : vector<1024x64xi32>
    %slice3A_59 = vector.extract_strided_slice %bitcast_convert_type3A_44 {offsets = [0, 64], sizes = [1024, 64], strides = [1, 1]} : vector<1024x128xi32> to vector<1024x64xi32>
    %add3A_60 = arith.constant 32767 : i32
    %add3A_61 = vector.broadcast %add3A_60 : i32 to vector<1024x64xi32>
    %add3A_62 = arith.addi %slice3A_59, %add3A_61 : vector<1024x64xi32>
    %shift_right_logical3A_63 = arith.constant 16 : i32
    %shift_right_logical3A_64 = vector.broadcast %shift_right_logical3A_63 : i32 to vector<1024x64xi32>
    %shift_right_logical3A_65 = arith.shrui %slice3A_59, %shift_right_logical3A_64 : vector<1024x64xi32>
    %and3A_66 = arith.constant 1 : i32
    %and3A_67 = vector.broadcast %and3A_66 : i32 to vector<1024x64xi32>
    %and3A_68 = arith.andi %shift_right_logical3A_65, %and3A_67 : vector<1024x64xi32>
    %add3A_69 = arith.addi %add3A_62, %and3A_68 : vector<1024x64xi32>
    %shift_right_logical3A_70 = arith.constant 16 : i32
    %shift_right_logical3A_71 = vector.broadcast %shift_right_logical3A_70 : i32 to vector<1024x64xi32>
    %shift_right_logical3A_72 = arith.shrui %add3A_69, %shift_right_logical3A_71 : vector<1024x64xi32>
    %or3A_73 = arith.ori %and3A_58, %shift_right_logical3A_72 : vector<1024x64xi32>
    %bitcast_convert_type3A_74 = tpu.bitcast %or3A_73 : vector<1024x64xi32> -> vector<1024x64xi32>
    %concatenate3A = tpu.concatenate %bitcast_convert_type3A_40, %bitcast_convert_type3A_74 in 1 : vector<1024x64xi32>, vector<1024x64xi32> -> vector<1024x128xi32>
    %swap3A = arith.constant 0 : index
    %swap3A_75 = arith.constant 0 : index
    %swap3A_76 = vector.load %arg4[%swap3A, %swap3A_75] : memref<1024x128xi32, #tpu.memory_space<vmem>>, vector<1024x128xi32>
    tpu.vector_store %arg4[%swap3A, %swap3A_75], %concatenate3A {strides = array<i32>} : memref<1024x128xi32, #tpu.memory_space<vmem>>, vector<1024x128xi32>,
    return
  }
  func.func @transform_0(%arg0: i32) -> (i32, i32, i32) {
    %c0_i32 = arith.constant 0 : i32
    %c0_i32_0 = arith.constant 0 : i32
    %c0_i32_1 = arith.constant 0 : i32
    return %c0_i32, %arg0, %c0_i32_0 : i32, i32, i32
  }
  func.func @transform_1(%arg0: i32) -> (i32, i32) {
    %c0_i32 = arith.constant 0 : i32
    %c0_i32_0 = arith.constant 0 : i32
    %c0_i32_1 = arith.constant 0 : i32
    return %c0_i32, %c0_i32_0 : i32, i32
  }
  func.func @transform_2(%arg0: i32) -> (i32, i32) {
    %c0_i32 = arith.constant 0 : i32
    %c0_i32_0 = arith.constant 0 : i32
    return %arg0, %c0_i32 : i32, i32
  }
  func.func @transform_3(%arg0: i32) -> (i32, i32) {
    %c0_i32 = arith.constant 0 : i32
    %c0_i32_0 = arith.constant 0 : i32
    return %arg0, %c0_i32 : i32, i32
  }
}

module attributes {stable_mosaic.version = 14 : i64} {
  func.func @_score_body(%arg0: i32, %arg1: memref<4096x128xi32, #tpu.memory_space<vmem>>, %arg2: memref<4096x128xi32, #tpu.memory_space<vmem>>, %arg3: memref<4096x16xf32, #tpu.memory_space<vmem>>, %arg4: memref<4096x16xf32, #tpu.memory_space<vmem>>, %arg5: memref<128x8xf32, #tpu.memory_space<vmem>>, %arg6: memref<16x8xf32, #tpu.memory_space<vmem>>, %arg7: memref<128x8xf32, #tpu.memory_space<vmem>>, %arg8: memref<1x1xf32, #tpu.memory_space<vmem>>) attributes {dimension_semantics = [#tpu.dimension_semantics<arbitrary>], iteration_bounds = array<i64: 50>, scalar_prefetch = 0 : i64, scratch_operands = 0 : i64, tpu.core_type = #tpu.core_type<tc>, window_params = [{transform_indices = @transform_0, window_bounds = array<i64: 4096, 128>}, {transform_indices = @transform_1, window_bounds = array<i64: 4096, 128>}, {transform_indices = @transform_2, window_bounds = array<i64: 4096, 16>}, {transform_indices = @transform_3, window_bounds = array<i64: 4096, 16>}, {pipeline_mode = #tpu.pipeline_mode<synchronous>, transform_indices = @transform_4, window_bounds = array<i64: 128, 8>}, {pipeline_mode = #tpu.pipeline_mode<synchronous>, transform_indices = @transform_5, window_bounds = array<i64: 16, 8>}, {pipeline_mode = #tpu.pipeline_mode<synchronous>, transform_indices = @transform_6, window_bounds = array<i64: 128, 8>}, {pipeline_mode = #tpu.pipeline_mode<synchronous>, transform_indices = @transform_7, window_bounds = array<i64: 1, 1>}]} {
    %get3A = arith.constant 0 : index
    %get3A_0 = arith.constant 0 : index
    %get3A_1 = vector.load %arg1[%get3A, %get3A_0] : memref<4096x128xi32, #tpu.memory_space<vmem>>, vector<4096x128xi32>
    %get3A_2 = arith.constant 0 : index
    %get3A_3 = arith.constant 0 : index
    %get3A_4 = vector.load %arg2[%get3A_2, %get3A_3] : memref<4096x128xi32, #tpu.memory_space<vmem>>, vector<4096x128xi32>
    %slice3A = vector.extract_strided_slice %get3A_1 {offsets = [0, 0], sizes = [4096, 64], strides = [1, 1]} : vector<4096x128xi32> to vector<4096x64xi32>
    %bitcast_convert_type3A = tpu.bitcast %slice3A : vector<4096x64xi32> -> vector<4096x64xi32>
    %and3A = arith.constant -65536 : i32
    %and3A_5 = vector.broadcast %and3A : i32 to vector<4096x64xi32>
    %and3A_6 = arith.andi %bitcast_convert_type3A, %and3A_5 : vector<4096x64xi32>
    %bitcast_convert_type3A_7 = tpu.bitcast %and3A_6 : vector<4096x64xi32> -> vector<4096x64xf32>
    %shift_left3A = arith.constant 16 : i32
    %shift_left3A_8 = vector.broadcast %shift_left3A : i32 to vector<4096x64xi32>
    %shift_left3A_9 = arith.shli %bitcast_convert_type3A, %shift_left3A_8 : vector<4096x64xi32>
    %bitcast_convert_type3A_10 = tpu.bitcast %shift_left3A_9 : vector<4096x64xi32> -> vector<4096x64xf32>
    %concatenate3A = tpu.concatenate %bitcast_convert_type3A_7, %bitcast_convert_type3A_10 in 1 : vector<4096x64xf32>, vector<4096x64xf32> -> vector<4096x128xf32>
    %slice3A_11 = vector.extract_strided_slice %get3A_4 {offsets = [0, 0], sizes = [4096, 64], strides = [1, 1]} : vector<4096x128xi32> to vector<4096x64xi32>
    %bitcast_convert_type3A_12 = tpu.bitcast %slice3A_11 : vector<4096x64xi32> -> vector<4096x64xi32>
    %and3A_13 = arith.constant -65536 : i32
    %and3A_14 = vector.broadcast %and3A_13 : i32 to vector<4096x64xi32>
    %and3A_15 = arith.andi %bitcast_convert_type3A_12, %and3A_14 : vector<4096x64xi32>
    %bitcast_convert_type3A_16 = tpu.bitcast %and3A_15 : vector<4096x64xi32> -> vector<4096x64xf32>
    %shift_left3A_17 = arith.constant 16 : i32
    %shift_left3A_18 = vector.broadcast %shift_left3A_17 : i32 to vector<4096x64xi32>
    %shift_left3A_19 = arith.shli %bitcast_convert_type3A_12, %shift_left3A_18 : vector<4096x64xi32>
    %bitcast_convert_type3A_20 = tpu.bitcast %shift_left3A_19 : vector<4096x64xi32> -> vector<4096x64xf32>
    %concatenate3A_21 = tpu.concatenate %bitcast_convert_type3A_16, %bitcast_convert_type3A_20 in 1 : vector<4096x64xf32>, vector<4096x64xf32> -> vector<4096x128xf32>
    %mul3A = arith.mulf %concatenate3A, %concatenate3A_21 : vector<4096x128xf32>
    %slice3A_22 = vector.extract_strided_slice %get3A_1 {offsets = [0, 64], sizes = [4096, 64], strides = [1, 1]} : vector<4096x128xi32> to vector<4096x64xi32>
    %bitcast_convert_type3A_23 = tpu.bitcast %slice3A_22 : vector<4096x64xi32> -> vector<4096x64xi32>
    %and3A_24 = arith.constant -65536 : i32
    %and3A_25 = vector.broadcast %and3A_24 : i32 to vector<4096x64xi32>
    %and3A_26 = arith.andi %bitcast_convert_type3A_23, %and3A_25 : vector<4096x64xi32>
    %bitcast_convert_type3A_27 = tpu.bitcast %and3A_26 : vector<4096x64xi32> -> vector<4096x64xf32>
    %shift_left3A_28 = arith.constant 16 : i32
    %shift_left3A_29 = vector.broadcast %shift_left3A_28 : i32 to vector<4096x64xi32>
    %shift_left3A_30 = arith.shli %bitcast_convert_type3A_23, %shift_left3A_29 : vector<4096x64xi32>
    %bitcast_convert_type3A_31 = tpu.bitcast %shift_left3A_30 : vector<4096x64xi32> -> vector<4096x64xf32>
    %concatenate3A_32 = tpu.concatenate %bitcast_convert_type3A_27, %bitcast_convert_type3A_31 in 1 : vector<4096x64xf32>, vector<4096x64xf32> -> vector<4096x128xf32>
    %slice3A_33 = vector.extract_strided_slice %get3A_4 {offsets = [0, 64], sizes = [4096, 64], strides = [1, 1]} : vector<4096x128xi32> to vector<4096x64xi32>
    %bitcast_convert_type3A_34 = tpu.bitcast %slice3A_33 : vector<4096x64xi32> -> vector<4096x64xi32>
    %and3A_35 = arith.constant -65536 : i32
    %and3A_36 = vector.broadcast %and3A_35 : i32 to vector<4096x64xi32>
    %and3A_37 = arith.andi %bitcast_convert_type3A_34, %and3A_36 : vector<4096x64xi32>
    %bitcast_convert_type3A_38 = tpu.bitcast %and3A_37 : vector<4096x64xi32> -> vector<4096x64xf32>
    %shift_left3A_39 = arith.constant 16 : i32
    %shift_left3A_40 = vector.broadcast %shift_left3A_39 : i32 to vector<4096x64xi32>
    %shift_left3A_41 = arith.shli %bitcast_convert_type3A_34, %shift_left3A_40 : vector<4096x64xi32>
    %bitcast_convert_type3A_42 = tpu.bitcast %shift_left3A_41 : vector<4096x64xi32> -> vector<4096x64xf32>
    %concatenate3A_43 = tpu.concatenate %bitcast_convert_type3A_38, %bitcast_convert_type3A_42 in 1 : vector<4096x64xf32>, vector<4096x64xf32> -> vector<4096x128xf32>
    %sub3A = arith.subf %concatenate3A_32, %concatenate3A_43 : vector<4096x128xf32>
    %abs3A = math.absf %sub3A : vector<4096x128xf32>
    %lt3A = arith.constant 25 : i32
    %lt3A_44 = arith.cmpi slt, %arg0, %lt3A : i32
    %get3A_45 = arith.constant 0 : index
    %get3A_46 = arith.constant 0 : index
    %get3A_47 = vector.load %arg3[%get3A_45, %get3A_46] : memref<4096x16xf32, #tpu.memory_space<vmem>>, vector<4096x16xf32>
    %get3A_48 = arith.constant 0 : index
    %get3A_49 = arith.constant 0 : index
    %get3A_50 = vector.load %arg4[%get3A_48, %get3A_49] : memref<4096x16xf32, #tpu.memory_space<vmem>>, vector<4096x16xf32>
    %select_n3A = arith.select %lt3A_44, %get3A_47, %get3A_50 : vector<4096x16xf32>
    %get3A_51 = arith.constant 0 : index
    %get3A_52 = arith.constant 0 : index
    %get3A_53 = vector.load %arg5[%get3A_51, %get3A_52] : memref<128x8xf32, #tpu.memory_space<vmem>>, vector<128x8xf32>
    %dot_general3A = arith.constant dense<0.000000e+00> : vector<4096x8xf32>
    %dot_general3A_54 = tpu.matmul %mul3A, %get3A_53, %dot_general3A {dimension_numbers = #tpu.dot_dimension_numbers<[1], [0], [0], [1], [0, 0, 1, 1], [], []>, transpose_lhs_hint = false} : vector<4096x128xf32>, vector<128x8xf32>, vector<4096x8xf32> -> vector<4096x8xf32>
    %get3A_55 = arith.constant 0 : index
    %get3A_56 = arith.constant 0 : index
    %get3A_57 = vector.load %arg6[%get3A_55, %get3A_56] : memref<16x8xf32, #tpu.memory_space<vmem>>, vector<16x8xf32>
    %dot_general3A_58 = arith.constant dense<0.000000e+00> : vector<4096x8xf32>
    %dot_general3A_59 = tpu.matmul %select_n3A, %get3A_57, %dot_general3A_58 {dimension_numbers = #tpu.dot_dimension_numbers<[1], [0], [0], [1], [0, 0, 1, 1], [], []>, transpose_lhs_hint = false} : vector<4096x16xf32>, vector<16x8xf32>, vector<4096x8xf32> -> vector<4096x8xf32>
    %add3A = arith.addf %dot_general3A_54, %dot_general3A_59 : vector<4096x8xf32>
    %get3A_60 = arith.constant 0 : index
    %get3A_61 = arith.constant 0 : index
    %get3A_62 = vector.load %arg7[%get3A_60, %get3A_61] : memref<128x8xf32, #tpu.memory_space<vmem>>, vector<128x8xf32>
    %dot_general3A_63 = arith.constant dense<0.000000e+00> : vector<4096x8xf32>
    %dot_general3A_64 = tpu.matmul %abs3A, %get3A_62, %dot_general3A_63 {dimension_numbers = #tpu.dot_dimension_numbers<[1], [0], [0], [1], [0, 0, 1, 1], [], []>, transpose_lhs_hint = false} : vector<4096x128xf32>, vector<128x8xf32>, vector<4096x8xf32> -> vector<4096x8xf32>
    %transpose3A = tpu.transpose %add3A, [1, 0] : vector<4096x8xf32> -> vector<8x4096xf32>
    %transpose3A_65 = tpu.transpose %dot_general3A_64, [1, 0] : vector<4096x8xf32> -> vector<8x4096xf32>
    %iota3A = tpu.iota {dimensions = array<i32: 0>} : vector<8x4096xi32>
    %lt3A_66 = arith.constant 4 : i32
    %lt3A_67 = vector.broadcast %lt3A_66 : i32 to vector<8x4096xi32>
    %lt3A_68 = arith.cmpi slt, %iota3A, %lt3A_67 : vector<8x4096xi32>
    %jit3A = arith.constant -1.000000e+30 : f32
    %broadcast_in_dim3A = vector.broadcast %jit3A : f32 to vector<8x4096xf32>
    %select_n3A_69 = arith.select %lt3A_68, %transpose3A_65, %broadcast_in_dim3A : vector<8x4096xi1>, vector<8x4096xf32>
    %reduce_max3A = arith.constant dense<0xFF800000> : vector<4096xf32>
    %reduce_max3A_70 = vector.multi_reduction <maximumf>, %select_n3A_69, %reduce_max3A [0] : vector<8x4096xf32> to vector<4096xf32>
    %broadcast_in_dim3A_71 = vector.shape_cast %reduce_max3A_70 : vector<4096xf32> to vector<1x4096xf32>
    %sub3A_72 = vector.broadcast %broadcast_in_dim3A_71 : vector<1x4096xf32> to vector<8x4096xf32>
    %sub3A_73 = arith.subf %select_n3A_69, %sub3A_72 : vector<8x4096xf32>
    %exp3A = math.exp %sub3A_73 : vector<8x4096xf32>
    %reduce_sum3A = arith.constant dense<0.000000e+00> : vector<4096xf32>
    %reduce_sum3A_74 = vector.multi_reduction <add>, %exp3A, %reduce_sum3A [0] : vector<8x4096xf32> to vector<4096xf32>
    %broadcast_in_dim3A_75 = vector.shape_cast %reduce_sum3A_74 : vector<4096xf32> to vector<1x4096xf32>
    %div3A = vector.broadcast %broadcast_in_dim3A_75 : vector<1x4096xf32> to vector<8x4096xf32>
    %div3A_76 = arith.divf %exp3A, %div3A : vector<8x4096xf32>
    %mul3A_77 = arith.mulf %transpose3A, %div3A_76 : vector<8x4096xf32>
    %reduce_sum3A_78 = arith.constant dense<0.000000e+00> : vector<4096xf32>
    %reduce_sum3A_79 = vector.multi_reduction <add>, %mul3A_77, %reduce_sum3A_78 [0] : vector<8x4096xf32> to vector<4096xf32>
    %broadcast_in_dim3A_80 = vector.shape_cast %reduce_sum3A_79 : vector<4096xf32> to vector<1x4096xf32>
    %iota3A_81 = tpu.iota {dimensions = array<i32: 1>} : vector<1x4096xi32>
    %mul3A_82 = arith.constant 4096 : i32
    %mul3A_83 = arith.muli %arg0, %mul3A_82 : i32
    %add3A_84 = vector.broadcast %mul3A_83 : i32 to vector<1x4096xi32>
    %add3A_85 = arith.addi %add3A_84, %iota3A_81 : vector<1x4096xi32>
    %lt3A_86 = arith.constant 25 : i32
    %lt3A_87 = arith.cmpi slt, %arg0, %lt3A_86 : i32
    %jit3A_88 = arith.constant 0 : i32
    %jit3A_89 = arith.constant 102400 : i32
    %select_n3A_90 = arith.select %lt3A_87, %jit3A_88, %jit3A_89 : i32
    %sub3A_91 = vector.broadcast %select_n3A_90 : i32 to vector<1x4096xi32>
    %sub3A_92 = arith.subi %add3A_85, %sub3A_91 : vector<1x4096xi32>
    %lt3A_93 = arith.constant 100000 : i32
    %lt3A_94 = vector.broadcast %lt3A_93 : i32 to vector<1x4096xi32>
    %lt3A_95 = arith.cmpi slt, %sub3A_92, %lt3A_94 : vector<1x4096xi32>
    %lt3A_96 = arith.constant 25 : i32
    %lt3A_97 = arith.cmpi slt, %arg0, %lt3A_96 : i32
    %jit3A_98 = arith.constant 1.000000e+00 : f32
    %jit3A_99 = arith.constant 0.000000e+00 : f32
    %select_n3A_100 = arith.select %lt3A_97, %jit3A_98, %jit3A_99 : f32
    %max3A = arith.constant 0.000000e+00 : f32
    %max3A_101 = vector.broadcast %max3A : f32 to vector<1x4096xf32>
    %max3A_102 = arith.maximumf %broadcast_in_dim3A_80, %max3A_101 : vector<1x4096xf32>
    %mul3A_103 = vector.broadcast %select_n3A_100 : f32 to vector<1x4096xf32>
    %mul3A_104 = arith.mulf %broadcast_in_dim3A_80, %mul3A_103 : vector<1x4096xf32>
    %sub3A_105 = arith.subf %max3A_102, %mul3A_104 : vector<1x4096xf32>
    %abs3A_106 = math.absf %broadcast_in_dim3A_80 : vector<1x4096xf32>
    %neg3A = arith.constant 0.000000e+00 : f32
    %neg3A_107 = vector.broadcast %neg3A : f32 to vector<1x4096xf32>
    %neg3A_108 = arith.subf %neg3A_107, %abs3A_106 : vector<1x4096xf32>
    %exp3A_109 = math.exp %neg3A_108 : vector<1x4096xf32>
    %add3A_110 = arith.constant 1.000000e+00 : f32
    %add3A_111 = vector.broadcast %add3A_110 : f32 to vector<1x4096xf32>
    %add3A_112 = arith.addf %add3A_111, %exp3A_109 : vector<1x4096xf32>
    %log3A = math.log %add3A_112 : vector<1x4096xf32>
    %add3A_113 = arith.addf %sub3A_105, %log3A : vector<1x4096xf32>
    %jit3A_114 = arith.constant 0.000000e+00 : f32
    %broadcast_in_dim3A_115 = vector.broadcast %jit3A_114 : f32 to vector<1x4096xf32>
    %select_n3A_116 = arith.select %lt3A_95, %add3A_113, %broadcast_in_dim3A_115 : vector<1x4096xi1>, vector<1x4096xf32>
    %reduce_sum3A_117 = vector.shape_cast %select_n3A_116 : vector<1x4096xf32> to vector<1x1x4096xf32>
    %reduce_sum3A_118 = arith.constant dense<0.000000e+00> : vector<1xf32>
    %reduce_sum3A_119 = vector.multi_reduction <add>, %reduce_sum3A_117, %reduce_sum3A_118 [1, 2] : vector<1x1x4096xf32> to vector<1xf32>
    %reduce_sum3A_120 = vector.shape_cast %reduce_sum3A_119 : vector<1xf32> to vector<1x1x1xf32>
    %reduce_sum3A_121 = vector.extract %reduce_sum3A_120[0, 0, 0] : f32 from vector<1x1x1xf32>
    %eq3A = arith.constant 0 : i32
    %eq3A_122 = arith.cmpi eq, %arg0, %eq3A : i32
    %convert_element_type3A = arith.extui %eq3A_122 : i1 to i32
    %cond3A = arith.constant 0 : i32
    %cond3A_123 = arith.cmpi ne, %convert_element_type3A, %cond3A : i32
    scf.if %cond3A_123 {
      %reshape3A = vector.broadcast %reduce_sum3A_121 : f32 to vector<1x1xf32>
      %swap3A = arith.constant 0 : index
      %swap3A_128 = arith.constant 0 : index
      %swap3A_129 = vector.load %arg8[%swap3A, %swap3A_128] : memref<1x1xf32, #tpu.memory_space<vmem>>, vector<1x1xf32>
      tpu.vector_store %arg8[%swap3A, %swap3A_128], %reshape3A {strides = array<i32>} : memref<1x1xf32, #tpu.memory_space<vmem>>, vector<1x1xf32>,
    } else {
    }
    %ne3A = arith.constant 0 : i32
    %ne3A_124 = arith.cmpi ne, %arg0, %ne3A : i32
    %convert_element_type3A_125 = arith.extui %ne3A_124 : i1 to i32
    %cond3A_126 = arith.constant 0 : i32
    %cond3A_127 = arith.cmpi ne, %convert_element_type3A_125, %cond3A_126 : i32
    scf.if %cond3A_127 {
      %get3A_128 = arith.constant 0 : index
      %get3A_129 = arith.constant 0 : index
      %get3A_130 = vector.load %arg8[%get3A_128, %get3A_129] : memref<1x1xf32, #tpu.memory_space<vmem>>, vector<1x1xf32>
      %reshape3A = vector.broadcast %reduce_sum3A_121 : f32 to vector<1x1xf32>
      %add3A_131 = arith.addf %get3A_130, %reshape3A : vector<1x1xf32>
      %swap3A = arith.constant 0 : index
      %swap3A_132 = arith.constant 0 : index
      %swap3A_133 = vector.load %arg8[%swap3A, %swap3A_132] : memref<1x1xf32, #tpu.memory_space<vmem>>, vector<1x1xf32>
      tpu.vector_store %arg8[%swap3A, %swap3A_132], %add3A_131 {strides = array<i32>} : memref<1x1xf32, #tpu.memory_space<vmem>>, vector<1x1xf32>,
    } else {
    }
    return
  }
  func.func @transform_0(%arg0: i32) -> (i32, i32) {
    %c0_i32 = arith.constant 0 : i32
    %c0_i32_0 = arith.constant 0 : i32
    return %arg0, %c0_i32 : i32, i32
  }
  func.func @transform_1(%arg0: i32) -> (i32, i32) {
    %c0_i32 = arith.constant 0 : i32
    %c0_i32_0 = arith.constant 0 : i32
    return %arg0, %c0_i32 : i32, i32
  }
  func.func @transform_2(%arg0: i32) -> (i32, i32) {
    %lt3A = arith.constant 25 : i32
    %lt3A_0 = arith.cmpi slt, %arg0, %lt3A : i32
    %jit3A = arith.constant 0 : i32
    %select_n3A = arith.select %lt3A_0, %arg0, %jit3A : i32
    %c0_i32 = arith.constant 0 : i32
    %c0_i32_1 = arith.constant 0 : i32
    return %select_n3A, %c0_i32 : i32, i32
  }
  func.func @transform_3(%arg0: i32) -> (i32, i32) {
    %lt3A = arith.constant 25 : i32
    %lt3A_0 = arith.cmpi slt, %arg0, %lt3A : i32
    %sub3A = arith.constant 25 : i32
    %sub3A_1 = arith.subi %arg0, %sub3A : i32
    %jit3A = arith.constant 0 : i32
    %select_n3A = arith.select %lt3A_0, %jit3A, %sub3A_1 : i32
    %c0_i32 = arith.constant 0 : i32
    %c0_i32_2 = arith.constant 0 : i32
    return %select_n3A, %c0_i32 : i32, i32
  }
  func.func @transform_4(%arg0: i32) -> (i32, i32) {
    %c0_i32 = arith.constant 0 : i32
    %c0_i32_0 = arith.constant 0 : i32
    %c0_i32_1 = arith.constant 0 : i32
    return %c0_i32, %c0_i32_0 : i32, i32
  }
  func.func @transform_5(%arg0: i32) -> (i32, i32) {
    %c0_i32 = arith.constant 0 : i32
    %c0_i32_0 = arith.constant 0 : i32
    %c0_i32_1 = arith.constant 0 : i32
    return %c0_i32, %c0_i32_0 : i32, i32
  }
  func.func @transform_6(%arg0: i32) -> (i32, i32) {
    %c0_i32 = arith.constant 0 : i32
    %c0_i32_0 = arith.constant 0 : i32
    %c0_i32_1 = arith.constant 0 : i32
    return %c0_i32, %c0_i32_0 : i32, i32
  }
  func.func @transform_7(%arg0: i32) -> (i32, i32) {
    %c0_i32 = arith.constant 0 : i32
    %c0_i32_0 = arith.constant 0 : i32
    %c0_i32_1 = arith.constant 0 : i32
    return %c0_i32, %c0_i32_0 : i32, i32
  }
}

</mosaic_0001>

<sc_bundles>
// kernel: kernel.10.cloned.1.call-start
scs
__scs_entry_jumppad:
0x0: {  	(pc) =	sbr.rel $0x88, $3  }
0x1: {  	(tag) =	ssettag $0x0;
	lr =	simm.s32 $0x1  }
0x2: {  	[smem:$0x3F98] =	sst lr;
	_ =	strace $0xD0000000  }
0x3: {  	_ = 	snop  }
0x4: {  	_ = 	snop  }
0x5: {  	_ = 	snop  }
0x6: {  	_ = 	snop  }
0x7: {  	_ = 	snop  }
__scs_overlays_trampoline_lowered:
0x8: {  	[smem:$0x3FA7] =	sst s0  }
0x9: {  	[smem:$0x3FA8] =	sst s1  }
0xa: {  	[smem:$0x3FA9] =	sst s2  }
0xb: {  	[smem:$0x3FAA] =	sst s3  }
0xc: {  	[smem:$0x3FAB] =	sst s4  }
0xd: {  	[smem:$0x3FAC] =	sst s5  }
0xe: {  	[smem:$0x3FAD] =	sst s6  }
0xf: {  	[smem:$0x3FAE] =	sst s7  }
0x10: {  	[smem:$0x3FAF] =	sst s8  }
0x11: {  	[smem:$0x3FB0] =	sst s9;
	s0 =	simm.s32 @!p0 $0x0  }
0x12: {  	s1 =	sld [smem:$0x3F96];
	s0 =	simm.s32 @p0 $0x1  }
0x13: {  	[smem:$0x3FB1] =	sst s0;
	s0 =	simm.s32 @!p1 $0x0  }
0x14: {  	s2 =	sld [smem:$0x3F95];
	s0 =	simm.s32 @p1 $0x1  }
0x15: {  	[smem:$0x3FB2] =	sst s0;
	s0 =	simm.s32 @!p2 $0x0  }
0x16: {  	s3 =	sld [smem:$0x3FDB];
	s0 =	simm.s32 @p2 $0x1  }
0x17: {  	s4 =	simm.s32 $0x1BF5;
	[smem:$0x3FB4] =	sst s0  }
0x18: {  	s0 =	sld [smem:$0x3F97];
	_ =	swait.ge [sflag:s4], $0x0  }
0x19: {  	s7 =	sld [smem:$0x3F98]  }
0x1a: {  	s8 =	sadd.s32 $0xFFFFE003, lr  }
0x1b: {  	s9 =	sadd.s32 $0xFFFFFEF7, lr;
	s5 =	simm.s32 $0xFFFFFFFF;
	p2 =	slt.u32 s8, $0xFFFFF086  }
0x1c: {  	p1 =	slt.u32 s9, $0xF7A;
	s5 =	simm.s32 @!p2 $0x0  }
0x1d: {  	s5 =	simm.s32 @p1 $0x1;
	p0 =	seq.s32 s7, s2  }
0x1e: {  	s7 =	smul.u32 @!p0 $0xF7A, s2;
	p2 =	seq.s32 @!p0 s5, $0x0  }
0x1f: {  	s9 =	smul.u32 $0xF7A, s1;
	s8 =	simm.s32 @!p0 $0x1BF5;
	p2 =	por !p2, p0  }
0x20: {  	[sflag:s8] =	ssyncset.s32 @!p0 $0xFFFFF086;
	s6 =	sadd.s32 @!p0 s3, s7;
	s7 =	simm.s32 @!p0 $0x108  }
0x21: {  	s3 =	sadd.s32 s3, s9;
	s6 =	sadd.s32 @!p0 $0x88, s6;
	s7 =	simm.s32 @p2 $0x1082  }
0x22: {  	[simem:s7], [sflag:s8] =	dma.local @!p0 [hbm:s6], $0xF7A  }
0x23: {  	s9 =	sor.u32 $0xD0000000, s2;
	s6 =	simm.s32 $0x108;
	_ =	swait.ge @!p0 [sflag:s8], $0x0  }
0x24: {  	s3 =	sadd.s32 $0x88, s3;
	s6 =	simm.s32 @!p1 $0x1082;
	[sflag:s4] =	ssyncset.s32 $0xFFFFF086  }
0x25: {  	[simem:s6], [sflag:s4] =	dma.local [hbm:s3], $0xF7A  }
0x26: {  	[smem:$0x3F98] =	sst s1;
	(tag) =	ssettag s2;
	_ =	strace s9  }
0x27: {  	s1 =	sld [smem:$0x3FA8]  }
0x28: {  	s2 =	sld [smem:$0x3FA9]  }
0x29: {  	s4 =	sld [smem:$0x3FAB]  }
0x2a: {  	p0 =	seq.s32 s5, $0x0;
	s5 =	sld [smem:$0x3FAC]  }
0x2b: {  	s6 =	sld [smem:$0x3FAD]  }
0x2c: {  	s7 =	sld [smem:$0x3FAE]  }
0x2d: {  	s3 =	simm.s32 $0x108;
	s8 =	sld [smem:$0x3FAF]  }
0x2e: {  	s3 =	simm.s32 @!p0 $0x1082;
	s9 =	sld [smem:$0x3FB0]  }
0x2f: {  	lr =	sadd.s32 s0, s3;
	s0 =	sld [smem:$0x3FA7]  }
0x30: {  	s3 =	sld [smem:$0x3FAA]  }
0x31: {  	[smem:$0x3FB3] =	sst s10  }
0x32: {  	s10 =	sld [smem:$0x3FB1];
	_ =	sdelay $0x3  }
0x33: {  	p0 =	seq.s32 s10, $0x1;
	s10 =	sld [smem:$0x3FB3];
	_ =	sdelay $0x3  }
0x34: {  	[smem:$0x3FB3] =	sst s10  }
0x35: {  	s10 =	sld [smem:$0x3FB2];
	_ =	sdelay $0x3  }
0x36: {  	p1 =	seq.s32 s10, $0x1;
	s10 =	sld [smem:$0x3FB3];
	_ =	sdelay $0x3  }
0x37: {  	[smem:$0x3FB3] =	sst s10  }
0x38: {  	s10 =	sld [smem:$0x3FB4]  }
0x39: {  	_ = 	snop;
	(pc) =	sbr.ind lr, $3  }
0x3a: {  	_ = 	snop  }
0x3b: {  	_ = 	snop  }
0x3c: {  	p2 =	seq.s32 s10, $0x1;
	s10 =	sld [smem:$0x3FB3]  }
0x3d: {  	_ =	shalt  }
0x3e: {  	_ =	shalt  }
0x3f: {  	_ =	shalt  }
0x40: {  	_ =	shalt  }
0x41: {  	_ =	shalt  }
0x42: {  	_ =	shalt  }
0x43: {  	_ =	shalt  }
0x44: {  	_ =	shalt  }
0x45: {  	_ =	shalt  }
0x46: {  	_ =	shalt  }
0x47: {  	_ =	shalt  }
0x48: {  	_ =	shalt  }
0x49: {  	_ =	shalt  }
0x4a: {  	_ =	shalt  }
0x4b: {  	_ =	shalt  }
0x4c: {  	_ =	shalt  }
0x4d: {  	_ =	shalt  }
0x4e: {  	_ =	shalt  }
0x4f: {  	_ =	shalt  }
0x50: {  	_ =	shalt  }
0x51: {  	_ =	shalt  }
0x52: {  	_ =	shalt  }
0x53: {  	_ =	shalt  }
0x54: {  	_ =	shalt  }
0x55: {  	_ =	shalt  }
0x56: {  	_ =	shalt  }
0x57: {  	_ =	shalt  }
0x58: {  	_ =	shalt  }
0x59: {  	_ =	shalt  }
0x5a: {  	_ =	shalt  }
0x5b: {  	_ =	shalt  }
0x5c: {  	_ =	shalt  }
0x5d: {  	_ =	shalt  }
0x5e: {  	_ =	shalt  }
0x5f: {  	_ =	shalt  }
0x60: {  	_ =	shalt  }
0x61: {  	_ =	shalt  }
0x62: {  	_ =	shalt  }
0x63: {  	_ =	shalt  }
0x64: {  	_ =	shalt  }
0x65: {  	_ =	shalt  }
0x66: {  	_ =	shalt  }
0x67: {  	_ =	shalt  }
0x68: {  	_ =	shalt  }
0x69: {  	_ =	shalt  }
0x6a: {  	_ =	shalt  }
0x6b: {  	_ =	shalt  }
0x6c: {  	_ =	shalt  }
0x6d: {  	_ =	shalt  }
0x6e: {  	_ =	shalt  }
0x6f: {  	_ =	shalt  }
0x70: {  	_ =	shalt  }
0x71: {  	_ =	shalt  }
0x72: {  	_ =	shalt  }
0x73: {  	_ =	shalt  }
0x74: {  	_ =	shalt  }
0x75: {  	_ =	shalt  }
0x76: {  	_ =	shalt  }
0x77: {  	_ =	shalt  }
0x78: {  	_ =	shalt  }
0x79: {  	_ =	shalt  }
0x7a: {  	_ =	shalt  }
0x7b: {  	_ =	shalt  }
0x7c: {  	_ =	shalt  }
0x7d: {  	_ =	shalt  }
0x7e: {  	_ =	shalt  }
0x7f: {  	_ =	shalt  }
0x80: {  	_ =	shalt  }
0x81: {  	_ =	shalt  }
0x82: {  	_ =	shalt  }
0x83: {  	_ =	shalt  }
0x84: {  	_ =	shalt  }
0x85: {  	_ =	shalt  }
0x86: {  	_ =	shalt  }
0x87: {  	_ =	shalt  }
.Lfunc_end0:
.L_simem_size_0:
called_computation.1_lowered:
.L_overlay_start_0:
0x88: {  	s2 =	sld [smem:$0x3FD9]  }
0x89: {  	s3 =	sld [smem:$0x3FFE];
	_ =	sdelay $0x1  }
0x8a: {  	s1 =	srdreg.scid  }
0x8b: {  	s0 =	sand.u32 $0x1, s1  }
0x8c: {  	s16 =	sshll.u32 s0, $0xA;
	s2 =	sadd.s32 s3, s2  }
0x8d: {  	s2 =	sadd.s32 s2, s16  }
0x8e: {  	[smem:$0x3FBF] =	sst s2  }
0x8f: {  	_ = 	snop  }
0x90: {  	(tm) =	ssettm $0x1  }
0x91: {  	s17 =	sld [smem:$0x3FFB];
	_ =	sdelay $0x3  }
0x92: {  	_ =	strace s17  }
0x93: {  	s2 =	sld [smem:$0x3FFC];
	_ =	sdelay $0x3  }
0x94: {  	_ =	strace s2  }
0x95: {  	s2 =	sld [smem:$0x3FFD];
	_ =	sdelay $0x3  }
0x96: {  	_ =	strace s2  }
0x97: {  	_ =	strace $0x8FFFFFFF  }
0x98: {  	s18 =	sld [smem:$0x3FDB];
	_ =	sdelay $0x1  }
0x99: {  	s19 =	simm.s32 $_scs_section_size  }
0x9a: {  	s4 =	simm.s32 $_size__tile_overlayer_lowered;
	s5 =	simm.s32 $_tile_overlayer_lowered  }
0x9b: {  	s22 =	simm.s32 $0x1BFF;
	s21 =	sshll.u32 s5, $0x1;
	s2 =	sadd.s32 s19, s18  }
0x9c: {  	s6 =	simm.s32 $0x0;
	s20 =	sshll.u32 s4, $0x1;
	s4 =	sadd.s32 s21, s2  }
0x9d: {  	[timem:s6], [sflag:s22] =	dma.local [hbm:s4], s20  }
0x9e: {  	_ =	swait.ge [sflag:s22], s20  }
0x9f: {  	s3 =	ssub.s32 $0x0, s20;
	[sflag:s22] =	ssyncset.done $0x0  }
0xa0: {  	[sflag:s22] =	ssyncadd.s32 s3;
	_ =	sdelay $0x1  }
0xa1: {  	s23 =	simm.s32 $0x1B8B  }
0xa2: {  	_ =	swait.ge [sflag:s23], $0x1  }
0xa3: {  	[sflag:s23] =	ssyncset.done $0x0  }
0xa4: {  	s25 =	simm.s32 $0x1B8E;
	s24 =	sld [smem:$0x3FFE];
	[sflag:s23] =	ssyncadd.s32 $0xFFFFFFFF  }
0xa5: {  	s26 =	simm.s32 $execute0_lowered;
	[smem:$0x3FD2] =	sst s25  }
0xa6: {  	s4 =	sshll.u32 s26, $0x1;
	_ =	strace $0x80000049;
	[dreg:$0x1] =	wrdreg $0xFFFFFFFF  }
0xa7: {  	s28 =	simm.s32 $_size_execute0_lowered;
	s2 =	sadd.s32 s2, s4;
	[dreg:$0x0] =	wrdreg $0x0  }
0xa8: {  	s4 =	sshll.u32 s28, $0x1;
	[dreg:$0x2] =	wrdreg s2  }
0xa9: {  	[dreg:$0x3] =	wrdreg s4  }
0xaa: {  	[dreg:$0x4] =	wrdreg $0xC0  }
0xab: {  	_ =	task [dreg:s6], $0x5FFFF  }
0xac: {  	[dreg:$0x1] =	wrdreg $0xFFFFFFFF  }
0xad: {  	[dreg:$0x0] =	wrdreg $0x60  }
0xae: {  	[dreg:$0x2] =	wrdreg s24  }
0xaf: {  	[dreg:$0x3] =	wrdreg $0x9  }
0xb0: {  	_ =	task.clear_ibuf [dreg:s6], $0x4FFFF;
	_ =	strace $0x90000049  }
0xb1: {  	s29 =	simm.s32 $0x9;
	_ =	strace $0x8000004B  }
0xb2: {  	_ =	swait.ge [sflag:s29], $0x1  }
0xb3: {  	[sflag:s29] =	ssyncadd.s32 $0xFFFFFFFF  }
0xb4: {  	_ =	strace $0x9000004B  }
0xb5: {  	_ =	sfence  }
0xb6: {  	s30 =	sld [smem:$0x0];
	_ =	sdelay $0x2  }
0xb7: {  	s31 =	sshll.u32 s1, $0xD;
	s1 =	sshrl.u32 s1, $0x2  }
0xb8: {  	s3 =	sand.u32 $0x4000, s31;
	s1 =	sadd.s32 s1, s30  }
0xb9: {  	s0 =	sor.u32 s3, s0;
	s1 =	sshll.u32 s1, $0x11  }
0xba: {  	s0 =	sor.u32 s1, s0  }
0xbb: {  	s0 =	sadd.s32 $0x8F2B, s0  }
0xbc: {  	[sflag:s0] =	ssyncadd.remote.s32 $0x1  }
0xbd: {  	_ =	sfence.sel $0xFFFF  }
0xbe: {  	[dreg:$0x0] =	wrdreg $0xFFFFFFFF;
	(pc) =	sbr.abs _section_cstart, $3  }
0xbf: {  	[dreg:$0x1] =	wrdreg $0xFFFFFFFF  }
0xc0: {  	_ =	task.clear_ibuf [dreg:s6], $0x2FFFF;
	_ =	strace $0x9FFFFFFF  }
0xc1: {  	(tm) =	ssettm $0x7FFFFFFF  }
tec
execute0_lowered:
.L_overlay_start_1:
0x0: {  	(tag) =	ssettag $0x1  }
0x1: {  	s0 =	srdreg.scid  }
0x2: {  	s14 =	stileid.u32;
	s1 =	rddreg [dreg:$0x0]  }
0x3: {  	s2 =	simm.s32 $0x0;
	s16 =	simm.s32 $0x5;
	s17 =	simm.s32 $0x1C00  }
0x4: {  	s18 =	simm.s32 $0x80;
	s19 =	simm.s32 $0x3800;
	s20 =	simm.s32 $0x7800  }
0x5: {  	s21 =	simm.s32 $0xB800;
	s23 =	simm.s32 $0xF800;
	s13 =	smul.u32 $0x190000, s14  }
0x6: {  	s0 =	sand.u32 $0x1, s0;
	s3 =	sshll.u32 s14, $0x1;
	s14 =	smul.u32 $0x32000, s14  }
0x7: {  	s28 =	simm.s32 $0x4;
	s29 =	simm.s32 $0x0;
	s30 =	smul.u32 $0xC8000, s0  }
0x8: {  	s7 =	sor.u32 s0, s3;
	s6 =	ssub.s32 $0x2, s0;
	s0 =	smul.u32 $0x19000, s0  }
0x9: {  	[smem:$0x7FF] =	sst s2;
	s5 =	sadd.s32 $0x3E2800, s1;
	s4 =	smul.u32 $0x380, s7  }
0xa: {  	_ =	strace $0x8000004A;
	s3 =	sadd.s32 $0x1600, s1;
	s9 =	smul.u32 $0xC8000, s7  }
0xb: {  	s24 =	sshrl.u32 s6, $0x1;
	s11 =	smul.u32 $0x19000, s7;
	s8 =	sadd.s32 s4, s1  }
0xc: {  	s4 =	sadd.s32 $0xC2800, s1;
	s1 =	ssub.s32 s6, s24;
	s10 =	sshrl.u32 s9, $0x3  }
0xd: {  	s12 =	sor.u32 $0x800, s11;
	s24 =	simm.s32 $0x1;
	s25 =	sadd.s32 $0xB4800, s8  }
0xe: {  	s26 =	sadd.s32 $0xBB800, s8;
	s8 =	smax.u32 s1, $0x1;
	s9 =	sadd.s32 s4, s10  }
0xf: {  	s10 =	sadd.s32 s5, s10;
	s11 =	sadd.s32 s4, s12;
	s12 =	sadd.s32 s5, s12  }
0x10: {  	s1 =	sadd.s32 s30, s13;
	s15 =	sadd.s32 s14, s4;
	[dreg:$0x2] =	wrdreg s25  }
0x11: {  	s14 =	sadd.s32 s14, s5;
	[dreg:$0x3] =	wrdreg s26;
	s13 =	sadd.s32 $0x8000, s1  }
0x12: {  	s31 =	sadd.s32 s0, s15;
	s0 =	sadd.s32 s0, s14;
	s25 =	simm.s32 $0x2  }
0x13: {  	s26 =	simm.s32 $0x3;
	s14 =	sadd.s32 $0x1800, s31;
	s22 =	sadd.s32 $0x1800, s0  }
.LBB2_1:
0x14: {  	s0 =	rddreg [dreg:$0x2]  }
0x15: {  	[tilespmem:s2], [sflag:$0x5] =	stream.linear.gather [hbm4b:s0+s2], $0x1900, $0x38;
	[tilespmem:$0x13800] =	vst v63  }
0x16: {  	_ =	swait.ge [sflag:s16], $0x1900  }
0x17: {  	[sflag:s16] =	ssyncset.done $0x0  }
0x18: {  	s6 =	rddreg [dreg:$0x3];
	[sflag:s16] =	ssyncadd.s32 $0xFFFFE700  }
0x19: {  	[tilespmem:s17], [sflag:$0x5] =	stream.linear.gather [hbm4b:s6+s2], $0x1900, $0x38;
	[tilespmem:$0x13800] =	vst v63  }
0x1a: {  	_ =	swait.ge [sflag:s16], $0x1900  }
0x1b: {  	[sflag:s16] =	ssyncset.done $0x0  }
0x1c: {  	[sflag:s16] =	ssyncadd.s32 $0xFFFFE700  }
0x1d: {  	[tilespmem:s19], [sflag:$0x1] =	stream.indirect.gather [hbm4b:s3+s18], $0x80, s2, s18, $0xb8;
	[tilespmem:$0x13800] =	vst v63  }
0x1e: {  	_ = 	snop  }
0x1f: {  	[tilespmem:s20], [sflag:$0x1] =	stream.indirect.gather [hbm4b:s3+s18], $0x80, s17, s18, $0xb8;
	[tilespmem:$0x13800] =	vst v63  }
0x20: {  	_ = 	snop  }
0x21: {  	[tilespmem:s21], [sflag:$0x2] =	stream.indirect.gather [hbm4b:s3+s18], $0x80, s18, s18, $0xb8;
	[tilespmem:$0x13800] =	vst v63  }
0x22: {  	s7 =	simm.s32 $0x1C80  }
0x23: {  	[tilespmem:s23], [sflag:$0x2] =	stream.indirect.gather [hbm4b:s3+s18], $0x80, s7, s18, $0xb8;
	[tilespmem:$0x13800] =	vst v63  }
0x24: {  	_ =	swait.ge [sflag:s24], $0x4000  }
0x25: {  	[sflag:s24] =	ssyncset.done $0x0  }
0x26: {  	[sflag:s24] =	ssyncadd.s32 $0xFFFFC000  }
0x27: {  	_ =	swait.ge [sflag:s24], $0x4000  }
0x28: {  	[sflag:s24] =	ssyncset.done $0x0  }
0x29: {  	[sflag:s24] =	ssyncadd.s32 $0xFFFFC000  }
0x2a: {  	[hbm4b:s9+s2] =	stream.linear.scatter [tilespmem:s19], [sflag:$0x3], $0x4000, $0x38;
	[tilespmem:$0x13800] =	vst v63  }
0x2b: {  	_ = 	snop  }
0x2c: {  	[hbm4b:s10+s2] =	stream.linear.scatter [tilespmem:s20], [sflag:$0x3], $0x4000, $0x38;
	[tilespmem:$0x13800] =	vst v63  }
0x2d: {  	_ =	swait.ge [sflag:s25], $0x4000  }
0x2e: {  	[sflag:s25] =	ssyncset.done $0x0  }
0x2f: {  	[sflag:s25] =	ssyncadd.s32 $0xFFFFC000  }
0x30: {  	_ =	swait.ge [sflag:s25], $0x4000  }
0x31: {  	[sflag:s25] =	ssyncset.done $0x0  }
0x32: {  	[sflag:s25] =	ssyncadd.s32 $0xFFFFC000  }
0x33: {  	[hbm4b:s11+s2] =	stream.linear.scatter [tilespmem:s21], [sflag:$0x4], $0x4000, $0x38;
	[tilespmem:$0x13800] =	vst v63  }
0x34: {  	_ = 	snop  }
0x35: {  	[hbm4b:s12+s2] =	stream.linear.scatter [tilespmem:s23], [sflag:$0x4], $0x4000, $0x38;
	[tilespmem:$0x13800] =	vst v63  }
0x36: {  	_ =	swait.ge [sflag:s26], $0x4000  }
0x37: {  	[sflag:s26] =	ssyncset.done $0x0  }
0x38: {  	[sflag:s26] =	ssyncadd.s32 $0xFFFFC000  }
0x39: {  	_ =	swait.ge [sflag:s26], $0x4000  }
0x3a: {  	[sflag:s26] =	ssyncset.done $0x0  }
0x3b: {  	s15 =	simm.s32 $0x100;
	[sflag:s26] =	ssyncadd.s32 $0xFFFFC000  }
0x3c: {  	[tilespmem:s19], [sflag:$0x1] =	stream.indirect.gather [hbm4b:s3+s18], $0x80, s15, s18, $0xb8;
	[tilespmem:$0x13800] =	vst v63  }
0x3d: {  	s1 =	simm.s32 $0x1D00  }
0x3e: {  	[tilespmem:s20], [sflag:$0x1] =	stream.indirect.gather [hbm4b:s3+s18], $0x80, s1, s18, $0xb8;
	[tilespmem:$0x13800] =	vst v63  }
0x3f: {  	_ =	swait.ge [sflag:s28], $0x4000  }
0x40: {  	[sflag:s28] =	ssyncset.done $0x0  }
0x41: {  	[sflag:s28] =	ssyncadd.s32 $0xFFFFC000  }
0x42: {  	_ =	swait.ge [sflag:s28], $0x4000  }
0x43: {  	[sflag:s28] =	ssyncset.done $0x0  }
0x44: {  	s6 =	simm.s32 $0x180;
	[sflag:s28] =	ssyncadd.s32 $0xFFFFC000  }
0x45: {  	[tilespmem:s21], [sflag:$0x2] =	stream.indirect.gather [hbm4b:s3+s18], $0x80, s6, s18, $0xb8;
	[tilespmem:$0x13800] =	vst v63  }
0x46: {  	s7 =	simm.s32 $0x1D80  }
0x47: {  	[tilespmem:s23], [sflag:$0x2] =	stream.indirect.gather [hbm4b:s3+s18], $0x80, s7, s18, $0xb8;
	[tilespmem:$0x13800] =	vst v63  }
0x48: {  	_ =	swait.ge [sflag:s24], $0x4000  }
0x49: {  	[sflag:s24] =	ssyncset.done $0x0  }
0x4a: {  	[sflag:s24] =	ssyncadd.s32 $0xFFFFC000  }
0x4b: {  	_ =	swait.ge [sflag:s24], $0x4000  }
0x4c: {  	s15 =	sshrl.u32 s13, $0x3;
	[sflag:s24] =	ssyncset.done $0x0  }
0x4d: {  	s1 =	sadd.s32 s4, s15;
	[sflag:s24] =	ssyncadd.s32 $0xFFFFC000  }
0x4e: {  	[hbm4b:s1+s2] =	stream.linear.scatter [tilespmem:s19], [sflag:$0x3], $0x4000, $0x38;
	[tilespmem:$0x13800] =	vst v63  }
0x4f: {  	s0 =	sadd.s32 s5, s15  }
0x50: {  	[hbm4b:s0+s2] =	stream.linear.scatter [tilespmem:s20], [sflag:$0x3], $0x4000, $0x38;
	[tilespmem:$0x13800] =	vst v63  }
0x51: {  	_ =	swait.ge [sflag:s25], $0x4000  }
0x52: {  	[sflag:s25] =	ssyncset.done $0x0  }
0x53: {  	[sflag:s25] =	ssyncadd.s32 $0xFFFFC000  }
0x54: {  	s30 =	simm.s32 $0x400;
	_ =	swait.ge [sflag:s25], $0x4000  }
0x55: {  	s31 =	sadd.s32 $0x8000, s13;
	s15 =	smov.u32 s22;
	[sflag:s25] =	ssyncset.done $0x0  }
0x56: {  	s1 =	sadd.s32 $0x1000, s14;
	s0 =	sadd.s32 $0x1000, s22;
	[sflag:s25] =	ssyncadd.s32 $0xFFFFC000  }
0x57: {  	[hbm4b:s14+s2] =	stream.linear.scatter [tilespmem:s21], [sflag:$0x4], $0x4000, $0x38;
	[tilespmem:$0x13800] =	vst v63  }
.LBB2_2:
0x58: {  	[hbm4b:s15+s2] =	stream.linear.scatter [tilespmem:s23], [sflag:$0x4], $0x4000, $0x38;
	[tilespmem:$0x13800] =	vst v63  }
0x59: {  	s6 =	smov.u32 s30;
	s15 =	smov.u32 s0  }
0x5a: {  	p0 =	sne.s32 s30, $0x5C00;
	s30 =	sadd.s32 $0x400, s30;
	_ =	swait.ge [sflag:s26], $0x4000  }
0x5b: {  	[sflag:s26] =	ssyncset.done $0x0  }
0x5c: {  	[sflag:s26] =	ssyncadd.s32 $0xFFFFC000  }
0x5d: {  	_ =	swait.ge [sflag:s26], $0x4000  }
0x5e: {  	s6 =	sshra.s32 s6, $0x2;
	[sflag:s26] =	ssyncset.done $0x0  }
0x5f: {  	s7 =	sadd.s32 $0x100, s6;
	[sflag:s26] =	ssyncadd.s32 $0xFFFFC000  }
0x60: {  	[tilespmem:s19], [sflag:$0x1] =	stream.indirect.gather [hbm4b:s3+s18], $0x80, s7, s18, $0xb8;
	[tilespmem:$0x13800] =	vst v63  }
0x61: {  	s7 =	sadd.s32 $0x1D00, s6  }
0x62: {  	[tilespmem:s20], [sflag:$0x1] =	stream.indirect.gather [hbm4b:s3+s18], $0x80, s7, s18, $0xb8;
	[tilespmem:$0x13800] =	vst v63  }
0x63: {  	_ =	swait.ge [sflag:s28], $0x4000  }
0x64: {  	[sflag:s28] =	ssyncset.done $0x0  }
0x65: {  	[sflag:s28] =	ssyncadd.s32 $0xFFFFC000  }
0x66: {  	_ =	swait.ge [sflag:s28], $0x4000  }
0x67: {  	[sflag:s28] =	ssyncset.done $0x0  }
0x68: {  	s7 =	sadd.s32 $0x180, s6;
	[sflag:s28] =	ssyncadd.s32 $0xFFFFC000  }
0x69: {  	[tilespmem:s21], [sflag:$0x2] =	stream.indirect.gather [hbm4b:s3+s18], $0x80, s7, s18, $0xb8;
	[tilespmem:$0x13800] =	vst v63  }
0x6a: {  	s6 =	sadd.s32 $0x1D80, s6  }
0x6b: {  	[tilespmem:s23], [sflag:$0x2] =	stream.indirect.gather [hbm4b:s3+s18], $0x80, s6, s18, $0xb8;
	[tilespmem:$0x13800] =	vst v63  }
0x6c: {  	_ =	swait.ge [sflag:s24], $0x4000  }
0x6d: {  	[sflag:s24] =	ssyncset.done $0x0  }
0x6e: {  	[sflag:s24] =	ssyncadd.s32 $0xFFFFC000  }
0x6f: {  	_ =	swait.ge [sflag:s24], $0x4000  }
0x70: {  	s6 =	sshrl.u32 s31, $0x3;
	[sflag:s24] =	ssyncset.done $0x0  }
0x71: {  	s7 =	sadd.s32 s4, s6;
	[sflag:s24] =	ssyncadd.s32 $0xFFFFC000  }
0x72: {  	[hbm4b:s7+s2] =	stream.linear.scatter [tilespmem:s19], [sflag:$0x3], $0x4000, $0x38;
	[tilespmem:$0x13800] =	vst v63  }
0x73: {  	s6 =	sadd.s32 s5, s6  }
0x74: {  	[hbm4b:s6+s2] =	stream.linear.scatter [tilespmem:s20], [sflag:$0x3], $0x4000, $0x38;
	[tilespmem:$0x13800] =	vst v63  }
0x75: {  	_ =	swait.ge [sflag:s25], $0x4000  }
0x76: {  	[sflag:s25] =	ssyncset.done $0x0  }
0x77: {  	[sflag:s25] =	ssyncadd.s32 $0xFFFFC000  }
.Ltmp0:
0x78: {  	_ =	swait.ge [sflag:s25], $0x4000;
	(pc) =	sbr.rel @p0 .LBB2_2-.Ltmp0, $4  }
0x79: {  	[sflag:s25] =	ssyncset.done $0x0  }
0x7a: {  	[sflag:s25] =	ssyncadd.s32 $0xFFFFC000  }
0x7b: {  	[hbm4b:s1+s2] =	stream.linear.scatter [tilespmem:s21], [sflag:$0x4], $0x4000, $0x38;
	[tilespmem:$0x13800] =	vst v63  }
0x7c: {  	s0 =	sadd.s32 $0x1000, s0;
	s31 =	sadd.s32 $0x8000, s31;
	s1 =	sadd.s32 $0x1000, s1  }
0x7d: {  	[hbm4b:s15+s2] =	stream.linear.scatter [tilespmem:s23], [sflag:$0x4], $0x4000, $0x38;
	[tilespmem:$0x13800] =	vst v63  }
0x7e: {  	_ =	swait.ge [sflag:s26], $0x4000  }
0x7f: {  	[sflag:s26] =	ssyncset.done $0x0  }
0x80: {  	[sflag:s26] =	ssyncadd.s32 $0xFFFFC000  }
0x81: {  	_ =	swait.ge [sflag:s26], $0x4000  }
0x82: {  	[sflag:s26] =	ssyncset.done $0x0  }
0x83: {  	s29 =	sadd.s32 $0x1, s29;
	[sflag:s26] =	ssyncadd.s32 $0xFFFFC000  }
0x84: {  	p0 =	sne.s32 s29, s8;
	_ =	swait.ge [sflag:s28], $0x4000  }
.Ltmp1:
0x85: {  	[sflag:s28] =	ssyncset.done $0x0;
	(pc) =	sbr.rel @p0 .LBB2_1-.Ltmp1, $4  }
0x86: {  	[sflag:s28] =	ssyncadd.s32 $0xFFFFC000  }
0x87: {  	_ =	swait.ge [sflag:s28], $0x4000  }
0x88: {  	[sflag:s28] =	ssyncset.done $0x0  }
0x89: {  	[sflag:s28] =	ssyncadd.s32 $0xFFFFC000  }
0x8a: {  	_ =	sfence.sel $0x180000  }
0x8b: {  	[bflag:$0x0] =	sbarrier.arrive $0xFFFF  }
0x8c: {  	_ =	strace $0x9000004A  }
0x8d: {  	s0 =	stileid.u32;
	[bflag:$0x2] =	sbarrier.arrive $0xFFFF  }
0x8e: {  	p0 =	sne.s32 s0, $0x0;
	s0 =	rddreg [dreg:$0x1]  }
0x8f: {  	s0 =	sadd.s32 @!p0 $0x100000, s0  }
0x90: {  	[sflag:s0] =	ssyncadd.tile.s32 @!p0 $0x1;
	_ =	shalt  }
.Lfunc_end2:
_tile_overlayer_lowered:
.L_overlay_start_2:
0x91: {  	(tag) =	ssettag $0x2  }
0x92: {  	s0 =	rddreg [dreg:$0x0];
	s2 =	stileid.u32  }
0x93: {  	s1 =	rddreg [dreg:$0x1];
	p0 =	sne.s32 s2, $0x0  }
0x94: {  	s3 =	rddreg [dreg:$0x2];
	[bflag:$0x3] =	sbarrier.arrive $0xFFFF;
	s2 =	simm.s32 @!p0 $0x1C05  }
0x95: {  	[timem:s3], [sflag:s2] =	dma.local @!p0 [hbm:s0], s1  }
0x96: {  	s0 =	simm.s32 @!p0 $0x5  }
0x97: {  	_ =	swait.ge @!p0 [sflag:s0], s1  }
0x98: {  	s1 =	ssub.s32 @!p0 $0x0, s1;
	[sflag:s0] =	ssyncset.done @!p0 $0x0  }
0x99: {  	[sflag:s0] =	ssyncadd.s32 @!p0 s1  }
0x9a: {  	[bflag:$0x3] =	sbarrier.arrive $0xFFFF  }
0x9b: {  	_ =	shalt  }

// kernel: kernel.7.cloned.1.call-start
scs
__scs_entry_jumppad:
0x0: {  	(pc) =	sbr.rel $0x88, $3  }
0x1: {  	(tag) =	ssettag $0x0;
	lr =	simm.s32 $0x1  }
0x2: {  	[smem:$0x3F98] =	sst lr;
	_ =	strace $0xD0000000  }
0x3: {  	_ = 	snop  }
0x4: {  	_ = 	snop  }
0x5: {  	_ = 	snop  }
0x6: {  	_ = 	snop  }
0x7: {  	_ = 	snop  }
__scs_overlays_trampoline_lowered:
0x8: {  	[smem:$0x3FA7] =	sst s0  }
0x9: {  	[smem:$0x3FA8] =	sst s1  }
0xa: {  	[smem:$0x3FA9] =	sst s2  }
0xb: {  	[smem:$0x3FAA] =	sst s3  }
0xc: {  	[smem:$0x3FAB] =	sst s4  }
0xd: {  	[smem:$0x3FAC] =	sst s5  }
0xe: {  	[smem:$0x3FAD] =	sst s6  }
0xf: {  	[smem:$0x3FAE] =	sst s7  }
0x10: {  	[smem:$0x3FAF] =	sst s8  }
0x11: {  	[smem:$0x3FB0] =	sst s9;
	s0 =	simm.s32 @!p0 $0x0  }
0x12: {  	s1 =	sld [smem:$0x3F96];
	s0 =	simm.s32 @p0 $0x1  }
0x13: {  	[smem:$0x3FB1] =	sst s0;
	s0 =	simm.s32 @!p1 $0x0  }
0x14: {  	s2 =	sld [smem:$0x3F95];
	s0 =	simm.s32 @p1 $0x1  }
0x15: {  	[smem:$0x3FB2] =	sst s0;
	s0 =	simm.s32 @!p2 $0x0  }
0x16: {  	s3 =	sld [smem:$0x3FDB];
	s0 =	simm.s32 @p2 $0x1  }
0x17: {  	s4 =	simm.s32 $0x1BF5;
	[smem:$0x3FB4] =	sst s0  }
0x18: {  	s0 =	sld [smem:$0x3F97];
	_ =	swait.ge [sflag:s4], $0x0  }
0x19: {  	s7 =	sld [smem:$0x3F98]  }
0x1a: {  	s8 =	sadd.s32 $0xFFFFE003, lr  }
0x1b: {  	s9 =	sadd.s32 $0xFFFFFEF7, lr;
	s5 =	simm.s32 $0xFFFFFFFF;
	p2 =	slt.u32 s8, $0xFFFFF086  }
0x1c: {  	p1 =	slt.u32 s9, $0xF7A;
	s5 =	simm.s32 @!p2 $0x0  }
0x1d: {  	s5 =	simm.s32 @p1 $0x1;
	p0 =	seq.s32 s7, s2  }
0x1e: {  	s7 =	smul.u32 @!p0 $0xF7A, s2;
	p2 =	seq.s32 @!p0 s5, $0x0  }
0x1f: {  	s9 =	smul.u32 $0xF7A, s1;
	s8 =	simm.s32 @!p0 $0x1BF5;
	p2 =	por !p2, p0  }
0x20: {  	[sflag:s8] =	ssyncset.s32 @!p0 $0xFFFFF086;
	s6 =	sadd.s32 @!p0 s3, s7;
	s7 =	simm.s32 @!p0 $0x108  }
0x21: {  	s3 =	sadd.s32 s3, s9;
	s6 =	sadd.s32 @!p0 $0x88, s6;
	s7 =	simm.s32 @p2 $0x1082  }
0x22: {  	[simem:s7], [sflag:s8] =	dma.local @!p0 [hbm:s6], $0xF7A  }
0x23: {  	s9 =	sor.u32 $0xD0000000, s2;
	s6 =	simm.s32 $0x108;
	_ =	swait.ge @!p0 [sflag:s8], $0x0  }
0x24: {  	s3 =	sadd.s32 $0x88, s3;
	s6 =	simm.s32 @!p1 $0x1082;
	[sflag:s4] =	ssyncset.s32 $0xFFFFF086  }
0x25: {  	[simem:s6], [sflag:s4] =	dma.local [hbm:s3], $0xF7A  }
0x26: {  	[smem:$0x3F98] =	sst s1;
	(tag) =	ssettag s2;
	_ =	strace s9  }
0x27: {  	s1 =	sld [smem:$0x3FA8]  }
0x28: {  	s2 =	sld [smem:$0x3FA9]  }
0x29: {  	s4 =	sld [smem:$0x3FAB]  }
0x2a: {  	p0 =	seq.s32 s5, $0x0;
	s5 =	sld [smem:$0x3FAC]  }
0x2b: {  	s6 =	sld [smem:$0x3FAD]  }
0x2c: {  	s7 =	sld [smem:$0x3FAE]  }
0x2d: {  	s3 =	simm.s32 $0x108;
	s8 =	sld [smem:$0x3FAF]  }
0x2e: {  	s3 =	simm.s32 @!p0 $0x1082;
	s9 =	sld [smem:$0x3FB0]  }
0x2f: {  	lr =	sadd.s32 s0, s3;
	s0 =	sld [smem:$0x3FA7]  }
0x30: {  	s3 =	sld [smem:$0x3FAA]  }
0x31: {  	[smem:$0x3FB3] =	sst s10  }
0x32: {  	s10 =	sld [smem:$0x3FB1];
	_ =	sdelay $0x3  }
0x33: {  	p0 =	seq.s32 s10, $0x1;
	s10 =	sld [smem:$0x3FB3];
	_ =	sdelay $0x3  }
0x34: {  	[smem:$0x3FB3] =	sst s10  }
0x35: {  	s10 =	sld [smem:$0x3FB2];
	_ =	sdelay $0x3  }
0x36: {  	p1 =	seq.s32 s10, $0x1;
	s10 =	sld [smem:$0x3FB3];
	_ =	sdelay $0x3  }
0x37: {  	[smem:$0x3FB3] =	sst s10  }
0x38: {  	s10 =	sld [smem:$0x3FB4]  }
0x39: {  	_ = 	snop;
	(pc) =	sbr.ind lr, $3  }
0x3a: {  	_ = 	snop  }
0x3b: {  	_ = 	snop  }
0x3c: {  	p2 =	seq.s32 s10, $0x1;
	s10 =	sld [smem:$0x3FB3]  }
0x3d: {  	_ =	shalt  }
0x3e: {  	_ =	shalt  }
0x3f: {  	_ =	shalt  }
0x40: {  	_ =	shalt  }
0x41: {  	_ =	shalt  }
0x42: {  	_ =	shalt  }
0x43: {  	_ =	shalt  }
0x44: {  	_ =	shalt  }
0x45: {  	_ =	shalt  }
0x46: {  	_ =	shalt  }
0x47: {  	_ =	shalt  }
0x48: {  	_ =	shalt  }
0x49: {  	_ =	shalt  }
0x4a: {  	_ =	shalt  }
0x4b: {  	_ =	shalt  }
0x4c: {  	_ =	shalt  }
0x4d: {  	_ =	shalt  }
0x4e: {  	_ =	shalt  }
0x4f: {  	_ =	shalt  }
0x50: {  	_ =	shalt  }
0x51: {  	_ =	shalt  }
0x52: {  	_ =	shalt  }
0x53: {  	_ =	shalt  }
0x54: {  	_ =	shalt  }
0x55: {  	_ =	shalt  }
0x56: {  	_ =	shalt  }
0x57: {  	_ =	shalt  }
0x58: {  	_ =	shalt  }
0x59: {  	_ =	shalt  }
0x5a: {  	_ =	shalt  }
0x5b: {  	_ =	shalt  }
0x5c: {  	_ =	shalt  }
0x5d: {  	_ =	shalt  }
0x5e: {  	_ =	shalt  }
0x5f: {  	_ =	shalt  }
0x60: {  	_ =	shalt  }
0x61: {  	_ =	shalt  }
0x62: {  	_ =	shalt  }
0x63: {  	_ =	shalt  }
0x64: {  	_ =	shalt  }
0x65: {  	_ =	shalt  }
0x66: {  	_ =	shalt  }
0x67: {  	_ =	shalt  }
0x68: {  	_ =	shalt  }
0x69: {  	_ =	shalt  }
0x6a: {  	_ =	shalt  }
0x6b: {  	_ =	shalt  }
0x6c: {  	_ =	shalt  }
0x6d: {  	_ =	shalt  }
0x6e: {  	_ =	shalt  }
0x6f: {  	_ =	shalt  }
0x70: {  	_ =	shalt  }
0x71: {  	_ =	shalt  }
0x72: {  	_ =	shalt  }
0x73: {  	_ =	shalt  }
0x74: {  	_ =	shalt  }
0x75: {  	_ =	shalt  }
0x76: {  	_ =	shalt  }
0x77: {  	_ =	shalt  }
0x78: {  	_ =	shalt  }
0x79: {  	_ =	shalt  }
0x7a: {  	_ =	shalt  }
0x7b: {  	_ =	shalt  }
0x7c: {  	_ =	shalt  }
0x7d: {  	_ =	shalt  }
0x7e: {  	_ =	shalt  }
0x7f: {  	_ =	shalt  }
0x80: {  	_ =	shalt  }
0x81: {  	_ =	shalt  }
0x82: {  	_ =	shalt  }
0x83: {  	_ =	shalt  }
0x84: {  	_ =	shalt  }
0x85: {  	_ =	shalt  }
0x86: {  	_ =	shalt  }
0x87: {  	_ =	shalt  }
.Lfunc_end0:
.L_simem_size_0:
called_computation_lowered:
.L_overlay_start_0:
0x88: {  	s2 =	sld [smem:$0x3FD9]  }
0x89: {  	s3 =	sld [smem:$0x3FFE];
	_ =	sdelay $0x1  }
0x8a: {  	s1 =	srdreg.scid  }
0x8b: {  	s0 =	sand.u32 $0x1, s1  }
0x8c: {  	s16 =	sshll.u32 s0, $0xA;
	s2 =	sadd.s32 s3, s2  }
0x8d: {  	s2 =	sadd.s32 s2, s16  }
0x8e: {  	[smem:$0x3FBF] =	sst s2  }
0x8f: {  	_ = 	snop  }
0x90: {  	(tm) =	ssettm $0x1  }
0x91: {  	s17 =	sld [smem:$0x3FFB];
	_ =	sdelay $0x3  }
0x92: {  	_ =	strace s17  }
0x93: {  	s2 =	sld [smem:$0x3FFC];
	_ =	sdelay $0x3  }
0x94: {  	_ =	strace s2  }
0x95: {  	s2 =	sld [smem:$0x3FFD];
	_ =	sdelay $0x3  }
0x96: {  	_ =	strace s2  }
0x97: {  	_ =	strace $0x8FFFFFFF  }
0x98: {  	s18 =	sld [smem:$0x3FDB];
	_ =	sdelay $0x1  }
0x99: {  	s19 =	simm.s32 $_scs_section_size  }
0x9a: {  	s4 =	simm.s32 $_size__tile_overlayer_lowered;
	s5 =	simm.s32 $_tile_overlayer_lowered  }
0x9b: {  	s22 =	simm.s32 $0x1BFF;
	s21 =	sshll.u32 s5, $0x1;
	s2 =	sadd.s32 s19, s18  }
0x9c: {  	s6 =	simm.s32 $0x0;
	s20 =	sshll.u32 s4, $0x1;
	s4 =	sadd.s32 s21, s2  }
0x9d: {  	[timem:s6], [sflag:s22] =	dma.local [hbm:s4], s20  }
0x9e: {  	_ =	swait.ge [sflag:s22], s20  }
0x9f: {  	s3 =	ssub.s32 $0x0, s20;
	[sflag:s22] =	ssyncset.done $0x0  }
0xa0: {  	[sflag:s22] =	ssyncadd.s32 s3;
	_ =	sdelay $0x1  }
0xa1: {  	s23 =	simm.s32 $0x1B8B  }
0xa2: {  	_ =	swait.ge [sflag:s23], $0x1  }
0xa3: {  	[sflag:s23] =	ssyncset.done $0x0  }
0xa4: {  	s25 =	simm.s32 $0x1B8E;
	s24 =	sld [smem:$0x3FFE];
	[sflag:s23] =	ssyncadd.s32 $0xFFFFFFFF  }
0xa5: {  	s26 =	simm.s32 $execute0_lowered;
	[smem:$0x3FD2] =	sst s25  }
0xa6: {  	s4 =	sshll.u32 s26, $0x1;
	_ =	strace $0x80000046;
	[dreg:$0x1] =	wrdreg $0xFFFFFFFF  }
0xa7: {  	s28 =	simm.s32 $_size_execute0_lowered;
	s2 =	sadd.s32 s2, s4;
	[dreg:$0x0] =	wrdreg $0x0  }
0xa8: {  	s4 =	sshll.u32 s28, $0x1;
	[dreg:$0x2] =	wrdreg s2  }
0xa9: {  	[dreg:$0x3] =	wrdreg s4  }
0xaa: {  	[dreg:$0x4] =	wrdreg $0xC0  }
0xab: {  	_ =	task [dreg:s6], $0x5FFFF  }
0xac: {  	[dreg:$0x1] =	wrdreg $0xFFFFFFFF  }
0xad: {  	[dreg:$0x0] =	wrdreg $0x60  }
0xae: {  	[dreg:$0x2] =	wrdreg s24  }
0xaf: {  	[dreg:$0x3] =	wrdreg $0xA8000  }
0xb0: {  	[dreg:$0x4] =	wrdreg $0x9  }
0xb1: {  	_ =	task.clear_ibuf [dreg:s6], $0x5FFFF;
	_ =	strace $0x90000046  }
0xb2: {  	s29 =	simm.s32 $0x9;
	_ =	strace $0x80000048  }
0xb3: {  	_ =	swait.ge [sflag:s29], $0x1  }
0xb4: {  	[sflag:s29] =	ssyncadd.s32 $0xFFFFFFFF  }
0xb5: {  	_ =	strace $0x90000048  }
0xb6: {  	_ =	sfence  }
0xb7: {  	s30 =	sld [smem:$0x0];
	_ =	sdelay $0x2  }
0xb8: {  	s31 =	sshll.u32 s1, $0xD;
	s1 =	sshrl.u32 s1, $0x2  }
0xb9: {  	s3 =	sand.u32 $0x4000, s31;
	s1 =	sadd.s32 s1, s30  }
0xba: {  	s0 =	sor.u32 s3, s0;
	s1 =	sshll.u32 s1, $0x11  }
0xbb: {  	s0 =	sor.u32 s1, s0  }
0xbc: {  	s0 =	sadd.s32 $0x8F2B, s0  }
0xbd: {  	[sflag:s0] =	ssyncadd.remote.s32 $0x1  }
0xbe: {  	_ =	sfence.sel $0xFFFF  }
0xbf: {  	[dreg:$0x0] =	wrdreg $0xFFFFFFFF;
	(pc) =	sbr.abs _section_cstart, $3  }
0xc0: {  	[dreg:$0x1] =	wrdreg $0xFFFFFFFF  }
0xc1: {  	_ =	task.clear_ibuf [dreg:s6], $0x2FFFF;
	_ =	strace $0x9FFFFFFF  }
0xc2: {  	(tm) =	ssettm $0x7FFFFFFF  }
0xc3: {  	_ =	shalt  }
tec
execute0_lowered:
.L_overlay_start_1:
0x0: {  	(tag) =	ssettag $0x1  }
0x1: {  	s5 =	rddreg [dreg:$0x0]  }
0x2: {  	s2 =	rddreg [dreg:$0x1]  }
0x3: {  	s0 =	rddreg [dreg:$0x2];
	s1 =	stileid.u32  }
0x4: {  	s4 =	srdreg.scid;
	s3 =	simm.s32 $0x0;
	s15 =	simm.s32 $0x1400  }
0x5: {  	s16 =	simm.s32 $0x7D;
	s17 =	simm.s32 $0x2800;
	s18 =	simm.s32 $0x1480  }
0x6: {  	s19 =	simm.s32 $0x6800;
	s20 =	simm.s32 $0x1;
	s21 =	simm.s32 $0x2  }
0x7: {  	s22 =	simm.s32 $0x80;
	s23 =	simm.s32 $0x3;
	s24 =	simm.s32 $0x4  }
0x8: {  	s25 =	simm.s32 $0x0;
	s6 =	smul.u32 $0x2800, s1;
	s7 =	sand.u32 $0x1, s4  }
0x9: {  	[smem:$0x7FF] =	sst s3;
	s4 =	sadd.s32 $0x15600, s5;
	s11 =	sadd.s32 $0xB600, s5  }
0xa: {  	s12 =	sadd.s32 $0x1600, s5;
	s9 =	smul.u32 $0x50000, s1;
	s13 =	sshll.u32 s1, $0x1  }
0xb: {  	s31 =	sshll.u32 s1, $0x6;
	s8 =	smul.u32 $0x28000, s7;
	s29 =	ssub.s32 $0x2, s7  }
0xc: {  	_ =	strace $0x80000047;
	s7 =	sor.u32 s7, s13;
	s10 =	sshrl.u32 s29, $0x1  }
0xd: {  	s9 =	sshrl.u32 s9, $0x2;
	s14 =	smul.u32 $0x500, s7;
	s8 =	sadd.s32 s6, s8  }
0xe: {  	s6 =	sadd.s32 s6, s5;
	s10 =	ssub.s32 s29, s10;
	s30 =	sadd.s32 s9, s2  }
0xf: {  	s8 =	sadd.s32 s8, s5;
	s5 =	sadd.s32 $0x3C800, s6;
	s6 =	sor.u32 $0x1C05, s31  }
0x10: {  	s9 =	sadd.s32 s11, s14;
	s13 =	sshrl.u32 s30, $0x3;
	s7 =	sadd.s32 $0x64800, s8  }
0x11: {  	s8 =	smax.u32 s10, $0x1;
	s10 =	sadd.s32 s12, s14;
	s14 =	sadd.s32 $0x280, s14  }
0x12: {  	s11 =	sadd.s32 s11, s14;
	s12 =	sadd.s32 s12, s14;
	s14 =	simm.s32 $0x5  }
.LBB2_1:
0x13: {  	[spmem:s13], [sflag:s6] =	dma.local [hbm:s5], $0x2800  }
0x14: {  	_ =	swait.ge [sflag:s14], $0x2800  }
0x15: {  	[sflag:s14] =	ssyncset.done $0x0  }
0x16: {  	[sflag:s14] =	ssyncadd.s32 $0xFFFFD800  }
0x17: {  	[bflag:$0x0] =	sbarrier.arrive $0xFFFF  }
0x18: {  	[tilespmem:s3], [sflag:$0x5] =	stream.linear.gather [hbm4b:s9+s3], $0x1400, $0x38;
	[tilespmem:$0x1E800] =	vst v63  }
0x19: {  	_ =	swait.ge [sflag:s14], $0x1400  }
0x1a: {  	[sflag:s14] =	ssyncset.done $0x0  }
0x1b: {  	[sflag:s14] =	ssyncadd.s32 $0xFFFFEC00  }
0x1c: {  	[tilespmem:s15], [sflag:$0x5] =	stream.linear.gather [hbm4b:s10+s3], $0x1400, $0x38;
	[tilespmem:$0x1E800] =	vst v63  }
0x1d: {  	_ =	swait.ge [sflag:s14], $0x1400  }
0x1e: {  	[sflag:s14] =	ssyncset.done $0x0  }
0x1f: {  	[sflag:s14] =	ssyncadd.s32 $0xFFFFEC00  }
0x20: {  	[tilespmem:s17], [sflag:$0x1] =	stream.indirect.gather [hbm4b:s4+s16], $0x80, s15, s16, $0xb8;
	[tilespmem:$0x1E800] =	vst v63  }
0x21: {  	_ = 	snop  }
0x22: {  	[tilespmem:s19], [sflag:$0x2] =	stream.indirect.gather [hbm4b:s4+s16], $0x80, s18, s16, $0xb8;
	[tilespmem:$0x1E800] =	vst v63  }
0x23: {  	_ =	swait.ge [sflag:s20], $0x3E80  }
0x24: {  	[sflag:s20] =	ssyncset.done $0x0  }
0x25: {  	[sflag:s20] =	ssyncadd.s32 $0xFFFFC180  }
0x26: {  	[spmem:s2] =	stream.indirect.scatter.add.f32 [tilespmem:s17], [sflag:$0x3], $0x80, s3, s16, $0xb8;
	[tilespmem:$0x1E800] =	vst v63  }
0x27: {  	_ =	swait.ge [sflag:s21], $0x3E80  }
0x28: {  	[sflag:s21] =	ssyncset.done $0x0  }
0x29: {  	[sflag:s21] =	ssyncadd.s32 $0xFFFFC180  }
0x2a: {  	[spmem:s2] =	stream.indirect.scatter.add.f32 [tilespmem:s19], [sflag:$0x4], $0x80, s22, s16, $0xb8;
	[tilespmem:$0x1E800] =	vst v63  }
0x2b: {  	_ =	swait.ge [sflag:s23], $0x3E80  }
0x2c: {  	[sflag:s23] =	ssyncset.done $0x0  }
0x2d: {  	s26 =	simm.s32 $0x1500;
	[sflag:s23] =	ssyncadd.s32 $0xFFFFC180  }
0x2e: {  	[tilespmem:s17], [sflag:$0x1] =	stream.indirect.gather [hbm4b:s4+s16], $0x80, s26, s16, $0xb8;
	[tilespmem:$0x1E800] =	vst v63  }
0x2f: {  	_ =	swait.ge [sflag:s24], $0x3E80  }
0x30: {  	[sflag:s24] =	ssyncset.done $0x0  }
0x31: {  	s30 =	simm.s32 $0x1580;
	[sflag:s24] =	ssyncadd.s32 $0xFFFFC180  }
0x32: {  	[tilespmem:s19], [sflag:$0x2] =	stream.indirect.gather [hbm4b:s4+s16], $0x80, s30, s16, $0xb8;
	[tilespmem:$0x1E800] =	vst v63  }
0x33: {  	_ =	swait.ge [sflag:s20], $0x3E80  }
0x34: {  	[sflag:s20] =	ssyncset.done $0x0  }
0x35: {  	s31 =	simm.s32 $0x100;
	[sflag:s20] =	ssyncadd.s32 $0xFFFFC180  }
0x36: {  	[spmem:s2] =	stream.indirect.scatter.add.f32 [tilespmem:s17], [sflag:$0x3], $0x80, s31, s16, $0xb8;
	[tilespmem:$0x1E800] =	vst v63  }
0x37: {  	_ =	swait.ge [sflag:s21], $0x3E80  }
0x38: {  	[sflag:s21] =	ssyncset.done $0x0  }
0x39: {  	s28 =	simm.s32 $0x180;
	s26 =	simm.s32 $0xFFFFB800;
	[sflag:s21] =	ssyncadd.s32 $0xFFFFC180  }
.LBB2_2:
0x3a: {  	[spmem:s2] =	stream.indirect.scatter.add.f32 [tilespmem:s19], [sflag:$0x4], $0x80, s28, s16, $0xb8;
	[tilespmem:$0x1E800] =	vst v63  }
0x3b: {  	s28 =	smov.u32 s26  }
0x3c: {  	p0 =	sne.s32 s26, $0xFFFFFC00;
	s26 =	sadd.s32 $0x400, s26;
	_ =	swait.ge [sflag:s23], $0x3E80  }
0x3d: {  	s28 =	sshra.s32 s28, $0x2;
	[sflag:s23] =	ssyncset.done $0x0  }
0x3e: {  	s29 =	sadd.s32 $0x2800, s28;
	[sflag:s23] =	ssyncadd.s32 $0xFFFFC180  }
0x3f: {  	[tilespmem:s17], [sflag:$0x1] =	stream.indirect.gather [hbm4b:s4+s16], $0x80, s29, s16, $0xb8;
	[tilespmem:$0x1E800] =	vst v63  }
0x40: {  	_ =	swait.ge [sflag:s24], $0x3E80  }
0x41: {  	[sflag:s24] =	ssyncset.done $0x0  }
0x42: {  	s29 =	sadd.s32 $0x2880, s28;
	[sflag:s24] =	ssyncadd.s32 $0xFFFFC180  }
0x43: {  	[tilespmem:s19], [sflag:$0x2] =	stream.indirect.gather [hbm4b:s4+s16], $0x80, s29, s16, $0xb8;
	[tilespmem:$0x1E800] =	vst v63  }
0x44: {  	_ =	swait.ge [sflag:s20], $0x3E80  }
0x45: {  	[sflag:s20] =	ssyncset.done $0x0  }
.Ltmp0:
0x46: {  	s29 =	sadd.s32 $0x1400, s28;
	[sflag:s20] =	ssyncadd.s32 $0xFFFFC180;
	(pc) =	sbr.rel @p0 .LBB2_2-.Ltmp0, $4  }
0x47: {  	[spmem:s2] =	stream.indirect.scatter.add.f32 [tilespmem:s17], [sflag:$0x3], $0x80, s29, s16, $0xb8;
	[tilespmem:$0x1E800] =	vst v63  }
0x48: {  	_ =	swait.ge [sflag:s21], $0x3E80  }
0x49: {  	[sflag:s21] =	ssyncset.done $0x0  }
0x4a: {  	s28 =	sadd.s32 $0x1480, s28;
	[sflag:s21] =	ssyncadd.s32 $0xFFFFC180  }
0x4b: {  	[spmem:s2] =	stream.indirect.scatter.add.f32 [tilespmem:s19], [sflag:$0x4], $0x80, s28, s16, $0xb8;
	[tilespmem:$0x1E800] =	vst v63  }
0x4c: {  	_ =	swait.ge [sflag:s23], $0x3E80  }
0x4d: {  	[sflag:s23] =	ssyncset.done $0x0  }
0x4e: {  	[sflag:s23] =	ssyncadd.s32 $0xFFFFC180  }
0x4f: {  	_ =	swait.ge [sflag:s24], $0x3E80  }
0x50: {  	[sflag:s24] =	ssyncset.done $0x0  }
0x51: {  	[sflag:s24] =	ssyncadd.s32 $0xFFFFC180  }
0x52: {  	[tilespmem:s3], [sflag:$0x5] =	stream.linear.gather [hbm4b:s11+s3], $0x1400, $0x38;
	[tilespmem:$0x1E800] =	vst v63  }
0x53: {  	_ =	swait.ge [sflag:s14], $0x1400  }
0x54: {  	[sflag:s14] =	ssyncset.done $0x0  }
0x55: {  	[sflag:s14] =	ssyncadd.s32 $0xFFFFEC00  }
0x56: {  	[tilespmem:s15], [sflag:$0x5] =	stream.linear.gather [hbm4b:s12+s3], $0x1400, $0x38;
	[tilespmem:$0x1E800] =	vst v63  }
0x57: {  	_ =	swait.ge [sflag:s14], $0x1400  }
0x58: {  	[sflag:s14] =	ssyncset.done $0x0  }
0x59: {  	[sflag:s14] =	ssyncadd.s32 $0xFFFFEC00  }
0x5a: {  	[tilespmem:s17], [sflag:$0x1] =	stream.indirect.gather [hbm4b:s4+s16], $0x80, s15, s16, $0xb8;
	[tilespmem:$0x1E800] =	vst v63  }
0x5b: {  	_ = 	snop  }
0x5c: {  	[tilespmem:s19], [sflag:$0x2] =	stream.indirect.gather [hbm4b:s4+s16], $0x80, s18, s16, $0xb8;
	[tilespmem:$0x1E800] =	vst v63  }
0x5d: {  	_ =	swait.ge [sflag:s20], $0x3E80  }
0x5e: {  	[sflag:s20] =	ssyncset.done $0x0  }
0x5f: {  	[sflag:s20] =	ssyncadd.s32 $0xFFFFC180  }
0x60: {  	[spmem:s2] =	stream.indirect.scatter.add.f32 [tilespmem:s17], [sflag:$0x3], $0x80, s3, s16, $0xb8;
	[tilespmem:$0x1E800] =	vst v63  }
0x61: {  	_ =	swait.ge [sflag:s21], $0x3E80  }
0x62: {  	[sflag:s21] =	ssyncset.done $0x0  }
0x63: {  	[sflag:s21] =	ssyncadd.s32 $0xFFFFC180  }
0x64: {  	[spmem:s2] =	stream.indirect.scatter.add.f32 [tilespmem:s19], [sflag:$0x4], $0x80, s22, s16, $0xb8;
	[tilespmem:$0x1E800] =	vst v63  }
0x65: {  	_ =	swait.ge [sflag:s23], $0x3E80  }
0x66: {  	[sflag:s23] =	ssyncset.done $0x0  }
0x67: {  	s26 =	simm.s32 $0x1500;
	[sflag:s23] =	ssyncadd.s32 $0xFFFFC180  }
0x68: {  	[tilespmem:s17], [sflag:$0x1] =	stream.indirect.gather [hbm4b:s4+s16], $0x80, s26, s16, $0xb8;
	[tilespmem:$0x1E800] =	vst v63  }
0x69: {  	_ =	swait.ge [sflag:s24], $0x3E80  }
0x6a: {  	[sflag:s24] =	ssyncset.done $0x0  }
0x6b: {  	s30 =	simm.s32 $0x1580;
	[sflag:s24] =	ssyncadd.s32 $0xFFFFC180  }
0x6c: {  	[tilespmem:s19], [sflag:$0x2] =	stream.indirect.gather [hbm4b:s4+s16], $0x80, s30, s16, $0xb8;
	[tilespmem:$0x1E800] =	vst v63  }
0x6d: {  	_ =	swait.ge [sflag:s20], $0x3E80  }
0x6e: {  	[sflag:s20] =	ssyncset.done $0x0  }
0x6f: {  	s31 =	simm.s32 $0x100;
	[sflag:s20] =	ssyncadd.s32 $0xFFFFC180  }
0x70: {  	[spmem:s2] =	stream.indirect.scatter.add.f32 [tilespmem:s17], [sflag:$0x3], $0x80, s31, s16, $0xb8;
	[tilespmem:$0x1E800] =	vst v63  }
0x71: {  	_ =	swait.ge [sflag:s21], $0x3E80  }
0x72: {  	[sflag:s21] =	ssyncset.done $0x0  }
0x73: {  	s28 =	simm.s32 $0x180;
	s26 =	simm.s32 $0xFFFFB800;
	[sflag:s21] =	ssyncadd.s32 $0xFFFFC180  }
.LBB2_4:
0x74: {  	[spmem:s2] =	stream.indirect.scatter.add.f32 [tilespmem:s19], [sflag:$0x4], $0x80, s28, s16, $0xb8;
	[tilespmem:$0x1E800] =	vst v63  }
0x75: {  	s28 =	smov.u32 s26  }
0x76: {  	p0 =	sne.s32 s26, $0xFFFFFC00;
	s26 =	sadd.s32 $0x400, s26;
	_ =	swait.ge [sflag:s23], $0x3E80  }
0x77: {  	s28 =	sshra.s32 s28, $0x2;
	[sflag:s23] =	ssyncset.done $0x0  }
0x78: {  	s29 =	sadd.s32 $0x2800, s28;
	[sflag:s23] =	ssyncadd.s32 $0xFFFFC180  }
0x79: {  	[tilespmem:s17], [sflag:$0x1] =	stream.indirect.gather [hbm4b:s4+s16], $0x80, s29, s16, $0xb8;
	[tilespmem:$0x1E800] =	vst v63  }
0x7a: {  	_ =	swait.ge [sflag:s24], $0x3E80  }
0x7b: {  	[sflag:s24] =	ssyncset.done $0x0  }
0x7c: {  	s29 =	sadd.s32 $0x2880, s28;
	[sflag:s24] =	ssyncadd.s32 $0xFFFFC180  }
0x7d: {  	[tilespmem:s19], [sflag:$0x2] =	stream.indirect.gather [hbm4b:s4+s16], $0x80, s29, s16, $0xb8;
	[tilespmem:$0x1E800] =	vst v63  }
0x7e: {  	_ =	swait.ge [sflag:s20], $0x3E80  }
0x7f: {  	[sflag:s20] =	ssyncset.done $0x0  }
.Ltmp1:
0x80: {  	s29 =	sadd.s32 $0x1400, s28;
	[sflag:s20] =	ssyncadd.s32 $0xFFFFC180;
	(pc) =	sbr.rel @p0 .LBB2_4-.Ltmp1, $4  }
0x81: {  	[spmem:s2] =	stream.indirect.scatter.add.f32 [tilespmem:s17], [sflag:$0x3], $0x80, s29, s16, $0xb8;
	[tilespmem:$0x1E800] =	vst v63  }
0x82: {  	_ =	swait.ge [sflag:s21], $0x3E80  }
0x83: {  	[sflag:s21] =	ssyncset.done $0x0  }
0x84: {  	s28 =	sadd.s32 $0x1480, s28;
	[sflag:s21] =	ssyncadd.s32 $0xFFFFC180  }
0x85: {  	[spmem:s2] =	stream.indirect.scatter.add.f32 [tilespmem:s19], [sflag:$0x4], $0x80, s28, s16, $0xb8;
	[tilespmem:$0x1E800] =	vst v63  }
0x86: {  	_ =	swait.ge [sflag:s23], $0x3E80  }
0x87: {  	[sflag:s23] =	ssyncset.done $0x0  }
0x88: {  	[sflag:s23] =	ssyncadd.s32 $0xFFFFC180  }
0x89: {  	_ =	swait.ge [sflag:s24], $0x3E80  }
0x8a: {  	s25 =	sadd.s32 $0x1, s25;
	[sflag:s24] =	ssyncset.done $0x0  }
0x8b: {  	p0 =	sne.s32 s25, s8;
	[sflag:s24] =	ssyncadd.s32 $0xFFFFC180  }
.Ltmp2:
0x8c: {  	[bflag:$0x0] =	sbarrier.arrive $0xFFFF;
	(pc) =	sbr.rel @p0 .LBB2_1-.Ltmp2, $4  }
0x8d: {  	[hbm:s7], [sflag:s6] =	dma.local [spmem:s13], $0x2800  }
0x8e: {  	_ =	swait.ge [sflag:s14], $0x2800  }
0x8f: {  	[sflag:s14] =	ssyncset.done $0x0  }
0x90: {  	[sflag:s14] =	ssyncadd.s32 $0xFFFFD800  }
0x91: {  	_ =	sfence.sel $0x180000  }
0x92: {  	[bflag:$0x0] =	sbarrier.arrive $0xFFFF  }
0x93: {  	p0 =	sne.s32 s1, $0x0;
	_ =	strace $0x90000047  }
0x94: {  	s0 =	sadd.s32 @!p0 $0x100000, s0;
	[bflag:$0x2] =	sbarrier.arrive $0xFFFF  }
0x95: {  	[sflag:s0] =	ssyncadd.tile.s32 @!p0 $0x1;
	_ =	shalt  }
.Lfunc_end2:
_tile_overlayer_lowered:
.L_overlay_start_2:
0x96: {  	(tag) =	ssettag $0x2  }
0x97: {  	s0 =	rddreg [dreg:$0x0];
	s2 =	stileid.u32  }
0x98: {  	s1 =	rddreg [dreg:$0x1];
	p0 =	sne.s32 s2, $0x0  }
0x99: {  	s3 =	rddreg [dreg:$0x2];
	[bflag:$0x3] =	sbarrier.arrive $0xFFFF;
	s2 =	simm.s32 @!p0 $0x1C05  }
0x9a: {  	[timem:s3], [sflag:s2] =	dma.local @!p0 [hbm:s0], s1  }
0x9b: {  	s0 =	simm.s32 @!p0 $0x5  }
0x9c: {  	_ =	swait.ge @!p0 [sflag:s0], s1  }
0x9d: {  	s1 =	ssub.s32 @!p0 $0x0, s1;
	[sflag:s0] =	ssyncset.done @!p0 $0x0  }
0x9e: {  	[sflag:s0] =	ssyncadd.s32 @!p0 s1  }
0x9f: {  	[bflag:$0x3] =	sbarrier.arrive $0xFFFF  }
0xa0: {  	_ =	shalt  }

</sc_bundles>
